<compile_context>
chip_gen: v7x
topology: tpu7x:2x2x1
jax: 0.10.2.dev20260603
libtpu: 0.0.44.dev20260713+nightly
codegen_flags: <defaults>
</compile_context>

<pallas_src>
import functools

import jax
import jax.numpy as jnp
from jax import lax
from jax.experimental import pallas as pl
from jax.experimental.pallas import tpu as pltpu
from jax.experimental.pallas import tpu_sc as plsc

_H = 200
_BT = 128
_DIM = 64
_NW = 32
_NSLOT = 6
_NBLK = (_H * _BT) // _NW
_TP = 136


def _emb_body(idx_hbm, table_hbm, out_hbm, idx_v, gb, tb, isem, gsem, osem):
    wid = lax.axis_index("s") * 2 + lax.axis_index("c")
    blk0 = wid * _NBLK
    iota = lax.iota(jnp.int32, 16)
    dhv = [(iota + 16 * c) // 8 for c in range(4)]
    dlv = [(iota + 16 * c) % 8 for c in range(4)]

    def hb(g):
        blk = blk0 + g
        return blk // _BT, blk % _BT

    def i_copy(g, s):
        h, bt = hb(g)
        return pltpu.make_async_copy(
            idx_hbm.at[h].at[pl.ds(bt * 128, 128)], idx_v.at[s], isem.at[s])

    def g_copy(s):
        return pltpu.make_async_copy(
            table_hbm.at[idx_v.at[s]], gb.at[s], gsem.at[s])

    def o_copy(g, s):
        h, bt = hb(g)
        return pltpu.make_async_copy(
            tb.at[s].at[:, :, pl.ds(0, 128)], out_hbm.at[h].at[:, bt],
            osem.at[s])

    def transpose(s):
        @plsc.parallel_loop(0, 128, 1, unroll=2)
        def _(b):
            bb = jnp.full((16,), b, jnp.int32)
            for c in range(4):
                v = gb[s, b, pl.ds(16 * c, 16)]
                plsc.store_scatter(tb.at[s], [dhv[c], dlv[c], bb], v)

    for k in range(4):
        i_copy(k, k).start()
    i_copy(0, 0).wait()
    g_copy(0).start()
    i_copy(1, 1).wait()
    g_copy(1).start()

    def body(g, carry):
        s = lax.rem(g, _NSLOT)
        s2 = lax.rem(g + 2, _NSLOT)
        s4 = lax.rem(g + 4, _NSLOT)

        @pl.when(g < _NBLK - 2)
        def _():
            i_copy(g + 2, s2).wait()
            g_copy(s2).start()

        @pl.when(g < _NBLK - 4)
        def _():
            i_copy(g + 4, s4).start()

        g_copy(s).wait()

        @pl.when(g >= _NSLOT)
        def _():
            o_copy(g - _NSLOT, s).wait()

        transpose(s)
        o_copy(g, s).start()
        return carry

    lax.fori_loop(0, _NBLK, body, 0)

    for k in range(_NSLOT):
        g = _NBLK - _NSLOT + k
        o_copy(g, g % _NSLOT).wait()


def kernel(token_ids, weight):
    tid_t = jnp.transpose(token_ids)

    mesh = plsc.VectorSubcoreMesh(core_axis_name="c", subcore_axis_name="s")
    emb = functools.partial(
        pl.kernel,
        mesh=mesh,
        out_type=jax.ShapeDtypeStruct((_H, 8, _BT, 8, 128), jnp.float32),
        scratch_types=[
            pltpu.VMEM((_NSLOT, 128), jnp.int32),
            pltpu.VMEM((_NSLOT, 128, _DIM), jnp.float32),
            pltpu.VMEM((_NSLOT, 8, 8, _TP), jnp.float32),
            pltpu.SemaphoreType.DMA((_NSLOT,)),
            pltpu.SemaphoreType.DMA((_NSLOT,)),
            pltpu.SemaphoreType.DMA((_NSLOT,)),
        ],
        compiler_params=pltpu.CompilerParams(
            use_tc_tiling_on_sc=False, needs_layout_passes=False),
    )(_emb_body)
    out5 = emb(tid_t, weight)
    return out5.transpose(2, 4, 0, 1, 3).reshape(16384, _H, _DIM)

# --- scband reference (transcript-rebuilt; emitter-appended) ---
"""Pipeline reference for scband-embedding-23974507446331 (READ-ONLY COPY).

The authoritative reference and input builder live on the scoring server;
editing this copy changes nothing except your own understanding.
"""

import jax, jax.numpy as jnp
import numpy as np

NUM_EMBEDDINGS = 1000000
EMBEDDING_DIM = 64
BATCH = 16384
HIST_LEN = 200


def setup_inputs(seed: int = 0) -> dict:
    key = jax.random.key(seed)
    k_idx, k_w = jax.random.split(key)
    token_ids = jax.random.randint(k_idx, (BATCH, HIST_LEN), 0, NUM_EMBEDDINGS, dtype=jnp.int64 if jax.config.jax_enable_x64 else jnp.int32)
    std = (2.0 / (NUM_EMBEDDINGS + EMBEDDING_DIM)) ** 0.5
    # truncated normal in [-std, std] scaled by std (trunc at 1 sigma)
    weight = std * jax.random.truncated_normal(k_w, -1.0, 1.0, (NUM_EMBEDDINGS, EMBEDDING_DIM), dtype=jnp.float32)
    return {"token_ids": token_ids, "weight": weight}


def reference(token_ids, weight):
    # Faithful translation of: return self.weight[token_ids]
    return jnp.take(weight, token_ids, axis=0)

if __name__ == "__main__":
    import jax
    _d = setup_inputs()
    print(jax.jit(kernel)(*tuple(_d.values())))

</pallas_src>

<mosaic_0001>
#map = affine_map<(d0, d1) -> (0, 0)>
#map1 = affine_map<(d0, d1) -> (0, 0, 0, 0, 0)>
module attributes {stable_mosaic.version = 14 : i64} {
  func.func @_emb_body(%arg0: i32, %arg1: i32, %arg2: memref<200x16384xi32, #tpu.memory_space<hbm>>, %arg3: memref<1000000x64xf32, #tpu.memory_space<hbm>>, %arg4: memref<200x8x128x8x128xf32, #tpu.memory_space<hbm>>, %arg5: memref<6x128xi32, #tpu.memory_space<vmem>>, %arg6: memref<6x128x64xf32, #tpu.memory_space<vmem>>, %arg7: memref<6x8x8x136xf32, #tpu.memory_space<vmem>>, %arg8: memref<6x!tpu.dma_semaphore, #tpu.memory_space<semaphore_mem>>, %arg9: memref<6x!tpu.dma_semaphore, #tpu.memory_space<semaphore_mem>>, %arg10: memref<6x!tpu.dma_semaphore, #tpu.memory_space<semaphore_mem>>) attributes {dimension_semantics = [#tpu.dimension_semantics<core_parallel>, #tpu.dimension_semantics<subcore_parallel>], iteration_bounds = array<i64: 2, 16>, scalar_prefetch = 0 : i64, scratch_operands = 6 : i64, tpu.core_type = #tpu.core_type<sc_vector_subcore>, window_params = [{transform_indices = #map}, {transform_indices = #map}, {transform_indices = #map1}]} {
    %mul3A = arith.constant 2 : i32
    %mul3A_0 = arith.muli %arg1, %mul3A : i32
    %add3A = arith.addi %mul3A_0, %arg0 : i32
    %mul3A_1 = arith.constant 800 : i32
    %mul3A_2 = arith.muli %add3A, %mul3A_1 : i32
    %iota3A = tpu.iota {dimensions = array<i32: 0>} : vector<16xi32>
    %add3A_3 = arith.constant 0 : i32
    %add3A_4 = vector.broadcast %add3A_3 : i32 to vector<16xi32>
    %add3A_5 = arith.addi %iota3A, %add3A_4 : vector<16xi32>
    %jit3A = arith.constant 8 : i32
    %div3A = vector.broadcast %jit3A : i32 to vector<16xi32>
    %div3A_6 = arith.divsi %add3A_5, %div3A : vector<16xi32>
    %sign3A = arith.constant 0 : i32
    %sign3A_7 = vector.broadcast %sign3A : i32 to vector<16xi32>
    %sign3A_8 = arith.cmpi sgt, %add3A_5, %sign3A_7 : vector<16xi32>
    %sign3A_9 = arith.extui %sign3A_8 : vector<16xi1> to vector<16xi32>
    %sign3A_10 = arith.constant 0 : i32
    %sign3A_11 = vector.broadcast %sign3A_10 : i32 to vector<16xi32>
    %sign3A_12 = arith.cmpi slt, %add3A_5, %sign3A_11 : vector<16xi32>
    %sign3A_13 = arith.extui %sign3A_12 : vector<16xi1> to vector<16xi32>
    %sign3A_14 = arith.subi %sign3A_9, %sign3A_13 : vector<16xi32>
    %sign3A_15 = arith.constant 0 : i32
    %sign3A_16 = arith.cmpi sgt, %jit3A, %sign3A_15 : i32
    %sign3A_17 = arith.extui %sign3A_16 : i1 to i32
    %sign3A_18 = arith.constant 0 : i32
    %sign3A_19 = arith.cmpi slt, %jit3A, %sign3A_18 : i32
    %sign3A_20 = arith.extui %sign3A_19 : i1 to i32
    %sign3A_21 = arith.subi %sign3A_17, %sign3A_20 : i32
    %ne3A = vector.broadcast %sign3A_21 : i32 to vector<16xi32>
    %ne3A_22 = arith.cmpi ne, %sign3A_14, %ne3A : vector<16xi32>
    %rem3A = vector.broadcast %jit3A : i32 to vector<16xi32>
    %rem3A_23 = arith.remsi %add3A_5, %rem3A : vector<16xi32>
    %ne3A_24 = arith.constant 0 : i32
    %ne3A_25 = vector.broadcast %ne3A_24 : i32 to vector<16xi32>
    %ne3A_26 = arith.cmpi ne, %rem3A_23, %ne3A_25 : vector<16xi32>
    %and3A = arith.andi %ne3A_22, %ne3A_26 : vector<16xi1>
    %sub3A = arith.constant 1 : i32
    %sub3A_27 = vector.broadcast %sub3A : i32 to vector<16xi32>
    %sub3A_28 = arith.subi %div3A_6, %sub3A_27 : vector<16xi32>
    %select_n3A = arith.select %and3A, %sub3A_28, %div3A_6 : vector<16xi1>, vector<16xi32>
    %add3A_29 = arith.constant 16 : i32
    %add3A_30 = vector.broadcast %add3A_29 : i32 to vector<16xi32>
    %add3A_31 = arith.addi %iota3A, %add3A_30 : vector<16xi32>
    %jit3A_32 = arith.constant 8 : i32
    %div3A_33 = vector.broadcast %jit3A_32 : i32 to vector<16xi32>
    %div3A_34 = arith.divsi %add3A_31, %div3A_33 : vector<16xi32>
    %sign3A_35 = arith.constant 0 : i32
    %sign3A_36 = vector.broadcast %sign3A_35 : i32 to vector<16xi32>
    %sign3A_37 = arith.cmpi sgt, %add3A_31, %sign3A_36 : vector<16xi32>
    %sign3A_38 = arith.extui %sign3A_37 : vector<16xi1> to vector<16xi32>
    %sign3A_39 = arith.constant 0 : i32
    %sign3A_40 = vector.broadcast %sign3A_39 : i32 to vector<16xi32>
    %sign3A_41 = arith.cmpi slt, %add3A_31, %sign3A_40 : vector<16xi32>
    %sign3A_42 = arith.extui %sign3A_41 : vector<16xi1> to vector<16xi32>
    %sign3A_43 = arith.subi %sign3A_38, %sign3A_42 : vector<16xi32>
    %sign3A_44 = arith.constant 0 : i32
    %sign3A_45 = arith.cmpi sgt, %jit3A_32, %sign3A_44 : i32
    %sign3A_46 = arith.extui %sign3A_45 : i1 to i32
    %sign3A_47 = arith.constant 0 : i32
    %sign3A_48 = arith.cmpi slt, %jit3A_32, %sign3A_47 : i32
    %sign3A_49 = arith.extui %sign3A_48 : i1 to i32
    %sign3A_50 = arith.subi %sign3A_46, %sign3A_49 : i32
    %ne3A_51 = vector.broadcast %sign3A_50 : i32 to vector<16xi32>
    %ne3A_52 = arith.cmpi ne, %sign3A_43, %ne3A_51 : vector<16xi32>
    %rem3A_53 = vector.broadcast %jit3A_32 : i32 to vector<16xi32>
    %rem3A_54 = arith.remsi %add3A_31, %rem3A_53 : vector<16xi32>
    %ne3A_55 = arith.constant 0 : i32
    %ne3A_56 = vector.broadcast %ne3A_55 : i32 to vector<16xi32>
    %ne3A_57 = arith.cmpi ne, %rem3A_54, %ne3A_56 : vector<16xi32>
    %and3A_58 = arith.andi %ne3A_52, %ne3A_57 : vector<16xi1>
    %sub3A_59 = arith.constant 1 : i32
    %sub3A_60 = vector.broadcast %sub3A_59 : i32 to vector<16xi32>
    %sub3A_61 = arith.subi %div3A_34, %sub3A_60 : vector<16xi32>
    %select_n3A_62 = arith.select %and3A_58, %sub3A_61, %div3A_34 : vector<16xi1>, vector<16xi32>
    %add3A_63 = arith.constant 32 : i32
    %add3A_64 = vector.broadcast %add3A_63 : i32 to vector<16xi32>
    %add3A_65 = arith.addi %iota3A, %add3A_64 : vector<16xi32>
    %jit3A_66 = arith.constant 8 : i32
    %div3A_67 = vector.broadcast %jit3A_66 : i32 to vector<16xi32>
    %div3A_68 = arith.divsi %add3A_65, %div3A_67 : vector<16xi32>
    %sign3A_69 = arith.constant 0 : i32
    %sign3A_70 = vector.broadcast %sign3A_69 : i32 to vector<16xi32>
    %sign3A_71 = arith.cmpi sgt, %add3A_65, %sign3A_70 : vector<16xi32>
    %sign3A_72 = arith.extui %sign3A_71 : vector<16xi1> to vector<16xi32>
    %sign3A_73 = arith.constant 0 : i32
    %sign3A_74 = vector.broadcast %sign3A_73 : i32 to vector<16xi32>
    %sign3A_75 = arith.cmpi slt, %add3A_65, %sign3A_74 : vector<16xi32>
    %sign3A_76 = arith.extui %sign3A_75 : vector<16xi1> to vector<16xi32>
    %sign3A_77 = arith.subi %sign3A_72, %sign3A_76 : vector<16xi32>
    %sign3A_78 = arith.constant 0 : i32
    %sign3A_79 = arith.cmpi sgt, %jit3A_66, %sign3A_78 : i32
    %sign3A_80 = arith.extui %sign3A_79 : i1 to i32
    %sign3A_81 = arith.constant 0 : i32
    %sign3A_82 = arith.cmpi slt, %jit3A_66, %sign3A_81 : i32
    %sign3A_83 = arith.extui %sign3A_82 : i1 to i32
    %sign3A_84 = arith.subi %sign3A_80, %sign3A_83 : i32
    %ne3A_85 = vector.broadcast %sign3A_84 : i32 to vector<16xi32>
    %ne3A_86 = arith.cmpi ne, %sign3A_77, %ne3A_85 : vector<16xi32>
    %rem3A_87 = vector.broadcast %jit3A_66 : i32 to vector<16xi32>
    %rem3A_88 = arith.remsi %add3A_65, %rem3A_87 : vector<16xi32>
    %ne3A_89 = arith.constant 0 : i32
    %ne3A_90 = vector.broadcast %ne3A_89 : i32 to vector<16xi32>
    %ne3A_91 = arith.cmpi ne, %rem3A_88, %ne3A_90 : vector<16xi32>
    %and3A_92 = arith.andi %ne3A_86, %ne3A_91 : vector<16xi1>
    %sub3A_93 = arith.constant 1 : i32
    %sub3A_94 = vector.broadcast %sub3A_93 : i32 to vector<16xi32>
    %sub3A_95 = arith.subi %div3A_68, %sub3A_94 : vector<16xi32>
    %select_n3A_96 = arith.select %and3A_92, %sub3A_95, %div3A_68 : vector<16xi1>, vector<16xi32>
    %add3A_97 = arith.constant 48 : i32
    %add3A_98 = vector.broadcast %add3A_97 : i32 to vector<16xi32>
    %add3A_99 = arith.addi %iota3A, %add3A_98 : vector<16xi32>
    %jit3A_100 = arith.constant 8 : i32
    %div3A_101 = vector.broadcast %jit3A_100 : i32 to vector<16xi32>
    %div3A_102 = arith.divsi %add3A_99, %div3A_101 : vector<16xi32>
    %sign3A_103 = arith.constant 0 : i32
    %sign3A_104 = vector.broadcast %sign3A_103 : i32 to vector<16xi32>
    %sign3A_105 = arith.cmpi sgt, %add3A_99, %sign3A_104 : vector<16xi32>
    %sign3A_106 = arith.extui %sign3A_105 : vector<16xi1> to vector<16xi32>
    %sign3A_107 = arith.constant 0 : i32
    %sign3A_108 = vector.broadcast %sign3A_107 : i32 to vector<16xi32>
    %sign3A_109 = arith.cmpi slt, %add3A_99, %sign3A_108 : vector<16xi32>
    %sign3A_110 = arith.extui %sign3A_109 : vector<16xi1> to vector<16xi32>
    %sign3A_111 = arith.subi %sign3A_106, %sign3A_110 : vector<16xi32>
    %sign3A_112 = arith.constant 0 : i32
    %sign3A_113 = arith.cmpi sgt, %jit3A_100, %sign3A_112 : i32
    %sign3A_114 = arith.extui %sign3A_113 : i1 to i32
    %sign3A_115 = arith.constant 0 : i32
    %sign3A_116 = arith.cmpi slt, %jit3A_100, %sign3A_115 : i32
    %sign3A_117 = arith.extui %sign3A_116 : i1 to i32
    %sign3A_118 = arith.subi %sign3A_114, %sign3A_117 : i32
    %ne3A_119 = vector.broadcast %sign3A_118 : i32 to vector<16xi32>
    %ne3A_120 = arith.cmpi ne, %sign3A_111, %ne3A_119 : vector<16xi32>
    %rem3A_121 = vector.broadcast %jit3A_100 : i32 to vector<16xi32>
    %rem3A_122 = arith.remsi %add3A_99, %rem3A_121 : vector<16xi32>
    %ne3A_123 = arith.constant 0 : i32
    %ne3A_124 = vector.broadcast %ne3A_123 : i32 to vector<16xi32>
    %ne3A_125 = arith.cmpi ne, %rem3A_122, %ne3A_124 : vector<16xi32>
    %and3A_126 = arith.andi %ne3A_120, %ne3A_125 : vector<16xi1>
    %sub3A_127 = arith.constant 1 : i32
    %sub3A_128 = vector.broadcast %sub3A_127 : i32 to vector<16xi32>
    %sub3A_129 = arith.subi %div3A_102, %sub3A_128 : vector<16xi32>
    %select_n3A_130 = arith.select %and3A_126, %sub3A_129, %div3A_102 : vector<16xi1>, vector<16xi32>
    %add3A_131 = arith.constant 0 : i32
    %add3A_132 = vector.broadcast %add3A_131 : i32 to vector<16xi32>
    %add3A_133 = arith.addi %iota3A, %add3A_132 : vector<16xi32>
    %jit3A_134 = arith.constant 8 : i32
    %eq3A = arith.constant 0 : i32
    %eq3A_135 = arith.cmpi eq, %jit3A_134, %eq3A : i32
    %jit3A_136 = arith.constant 1 : i32
    %select_n3A_137 = arith.select %eq3A_135, %jit3A_136, %jit3A_134 : i32
    %rem3A_138 = vector.broadcast %select_n3A_137 : i32 to vector<16xi32>
    %rem3A_139 = arith.remsi %add3A_133, %rem3A_138 : vector<16xi32>
    %ne3A_140 = arith.constant 0 : i32
    %ne3A_141 = vector.broadcast %ne3A_140 : i32 to vector<16xi32>
    %ne3A_142 = arith.cmpi ne, %rem3A_139, %ne3A_141 : vector<16xi32>
    %lt3A = arith.constant 0 : i32
    %lt3A_143 = vector.broadcast %lt3A : i32 to vector<16xi32>
    %lt3A_144 = arith.cmpi slt, %rem3A_139, %lt3A_143 : vector<16xi32>
    %lt3A_145 = arith.constant 0 : i32
    %lt3A_146 = arith.cmpi slt, %select_n3A_137, %lt3A_145 : i32
    %ne3A_147 = vector.broadcast %lt3A_146 : i1 to vector<16xi1>
    %ne3A_148 = vector.broadcast %ne3A_147 : vector<16xi1> to vector<16xi1>
    %ne3A_149 = arith.xori %lt3A_144, %ne3A_148 : vector<16xi1>
    %and3A_150 = arith.andi %ne3A_149, %ne3A_142 : vector<16xi1>
    %add3A_151 = vector.broadcast %select_n3A_137 : i32 to vector<16xi32>
    %add3A_152 = arith.addi %rem3A_139, %add3A_151 : vector<16xi32>
    %select_n3A_153 = arith.select %and3A_150, %add3A_152, %rem3A_139 : vector<16xi1>, vector<16xi32>
    %add3A_154 = arith.constant 16 : i32
    %add3A_155 = vector.broadcast %add3A_154 : i32 to vector<16xi32>
    %add3A_156 = arith.addi %iota3A, %add3A_155 : vector<16xi32>
    %jit3A_157 = arith.constant 8 : i32
    %eq3A_158 = arith.constant 0 : i32
    %eq3A_159 = arith.cmpi eq, %jit3A_157, %eq3A_158 : i32
    %jit3A_160 = arith.constant 1 : i32
    %select_n3A_161 = arith.select %eq3A_159, %jit3A_160, %jit3A_157 : i32
    %rem3A_162 = vector.broadcast %select_n3A_161 : i32 to vector<16xi32>
    %rem3A_163 = arith.remsi %add3A_156, %rem3A_162 : vector<16xi32>
    %ne3A_164 = arith.constant 0 : i32
    %ne3A_165 = vector.broadcast %ne3A_164 : i32 to vector<16xi32>
    %ne3A_166 = arith.cmpi ne, %rem3A_163, %ne3A_165 : vector<16xi32>
    %lt3A_167 = arith.constant 0 : i32
    %lt3A_168 = vector.broadcast %lt3A_167 : i32 to vector<16xi32>
    %lt3A_169 = arith.cmpi slt, %rem3A_163, %lt3A_168 : vector<16xi32>
    %lt3A_170 = arith.constant 0 : i32
    %lt3A_171 = arith.cmpi slt, %select_n3A_161, %lt3A_170 : i32
    %ne3A_172 = vector.broadcast %lt3A_171 : i1 to vector<16xi1>
    %ne3A_173 = vector.broadcast %ne3A_172 : vector<16xi1> to vector<16xi1>
    %ne3A_174 = arith.xori %lt3A_169, %ne3A_173 : vector<16xi1>
    %and3A_175 = arith.andi %ne3A_174, %ne3A_166 : vector<16xi1>
    %add3A_176 = vector.broadcast %select_n3A_161 : i32 to vector<16xi32>
    %add3A_177 = arith.addi %rem3A_163, %add3A_176 : vector<16xi32>
    %select_n3A_178 = arith.select %and3A_175, %add3A_177, %rem3A_163 : vector<16xi1>, vector<16xi32>
    %add3A_179 = arith.constant 32 : i32
    %add3A_180 = vector.broadcast %add3A_179 : i32 to vector<16xi32>
    %add3A_181 = arith.addi %iota3A, %add3A_180 : vector<16xi32>
    %jit3A_182 = arith.constant 8 : i32
    %eq3A_183 = arith.constant 0 : i32
    %eq3A_184 = arith.cmpi eq, %jit3A_182, %eq3A_183 : i32
    %jit3A_185 = arith.constant 1 : i32
    %select_n3A_186 = arith.select %eq3A_184, %jit3A_185, %jit3A_182 : i32
    %rem3A_187 = vector.broadcast %select_n3A_186 : i32 to vector<16xi32>
    %rem3A_188 = arith.remsi %add3A_181, %rem3A_187 : vector<16xi32>
    %ne3A_189 = arith.constant 0 : i32
    %ne3A_190 = vector.broadcast %ne3A_189 : i32 to vector<16xi32>
    %ne3A_191 = arith.cmpi ne, %rem3A_188, %ne3A_190 : vector<16xi32>
    %lt3A_192 = arith.constant 0 : i32
    %lt3A_193 = vector.broadcast %lt3A_192 : i32 to vector<16xi32>
    %lt3A_194 = arith.cmpi slt, %rem3A_188, %lt3A_193 : vector<16xi32>
    %lt3A_195 = arith.constant 0 : i32
    %lt3A_196 = arith.cmpi slt, %select_n3A_186, %lt3A_195 : i32
    %ne3A_197 = vector.broadcast %lt3A_196 : i1 to vector<16xi1>
    %ne3A_198 = vector.broadcast %ne3A_197 : vector<16xi1> to vector<16xi1>
    %ne3A_199 = arith.xori %lt3A_194, %ne3A_198 : vector<16xi1>
    %and3A_200 = arith.andi %ne3A_199, %ne3A_191 : vector<16xi1>
    %add3A_201 = vector.broadcast %select_n3A_186 : i32 to vector<16xi32>
    %add3A_202 = arith.addi %rem3A_188, %add3A_201 : vector<16xi32>
    %select_n3A_203 = arith.select %and3A_200, %add3A_202, %rem3A_188 : vector<16xi1>, vector<16xi32>
    %add3A_204 = arith.constant 48 : i32
    %add3A_205 = vector.broadcast %add3A_204 : i32 to vector<16xi32>
    %add3A_206 = arith.addi %iota3A, %add3A_205 : vector<16xi32>
    %jit3A_207 = arith.constant 8 : i32
    %eq3A_208 = arith.constant 0 : i32
    %eq3A_209 = arith.cmpi eq, %jit3A_207, %eq3A_208 : i32
    %jit3A_210 = arith.constant 1 : i32
    %select_n3A_211 = arith.select %eq3A_209, %jit3A_210, %jit3A_207 : i32
    %rem3A_212 = vector.broadcast %select_n3A_211 : i32 to vector<16xi32>
    %rem3A_213 = arith.remsi %add3A_206, %rem3A_212 : vector<16xi32>
    %ne3A_214 = arith.constant 0 : i32
    %ne3A_215 = vector.broadcast %ne3A_214 : i32 to vector<16xi32>
    %ne3A_216 = arith.cmpi ne, %rem3A_213, %ne3A_215 : vector<16xi32>
    %lt3A_217 = arith.constant 0 : i32
    %lt3A_218 = vector.broadcast %lt3A_217 : i32 to vector<16xi32>
    %lt3A_219 = arith.cmpi slt, %rem3A_213, %lt3A_218 : vector<16xi32>
    %lt3A_220 = arith.constant 0 : i32
    %lt3A_221 = arith.cmpi slt, %select_n3A_211, %lt3A_220 : i32
    %ne3A_222 = vector.broadcast %lt3A_221 : i1 to vector<16xi1>
    %ne3A_223 = vector.broadcast %ne3A_222 : vector<16xi1> to vector<16xi1>
    %ne3A_224 = arith.xori %lt3A_219, %ne3A_223 : vector<16xi1>
    %and3A_225 = arith.andi %ne3A_224, %ne3A_216 : vector<16xi1>
    %add3A_226 = vector.broadcast %select_n3A_211 : i32 to vector<16xi32>
    %add3A_227 = arith.addi %rem3A_213, %add3A_226 : vector<16xi32>
    %select_n3A_228 = arith.select %and3A_225, %add3A_227, %rem3A_213 : vector<16xi1>, vector<16xi32>
    %add3A_229 = arith.constant 0 : i32
    %add3A_230 = arith.addi %mul3A_2, %add3A_229 : i32
    %jit3A_231 = arith.constant 128 : i32
    %div3A_232 = arith.divsi %add3A_230, %jit3A_231 : i32
    %sign3A_233 = arith.constant 0 : i32
    %sign3A_234 = arith.cmpi sgt, %add3A_230, %sign3A_233 : i32
    %sign3A_235 = arith.extui %sign3A_234 : i1 to i32
    %sign3A_236 = arith.constant 0 : i32
    %sign3A_237 = arith.cmpi slt, %add3A_230, %sign3A_236 : i32
    %sign3A_238 = arith.extui %sign3A_237 : i1 to i32
    %sign3A_239 = arith.subi %sign3A_235, %sign3A_238 : i32
    %sign3A_240 = arith.constant 0 : i32
    %sign3A_241 = arith.cmpi sgt, %jit3A_231, %sign3A_240 : i32
    %sign3A_242 = arith.extui %sign3A_241 : i1 to i32
    %sign3A_243 = arith.constant 0 : i32
    %sign3A_244 = arith.cmpi slt, %jit3A_231, %sign3A_243 : i32
    %sign3A_245 = arith.extui %sign3A_244 : i1 to i32
    %sign3A_246 = arith.subi %sign3A_242, %sign3A_245 : i32
    %ne3A_247 = arith.cmpi ne, %sign3A_239, %sign3A_246 : i32
    %rem3A_248 = arith.remsi %add3A_230, %jit3A_231 : i32
    %ne3A_249 = arith.constant 0 : i32
    %ne3A_250 = arith.cmpi ne, %rem3A_248, %ne3A_249 : i32
    %and3A_251 = arith.andi %ne3A_247, %ne3A_250 : i1
    %sub3A_252 = arith.constant 1 : i32
    %sub3A_253 = arith.subi %div3A_232, %sub3A_252 : i32
    %select_n3A_254 = arith.select %and3A_251, %sub3A_253, %div3A_232 : i32
    %jit3A_255 = arith.constant 128 : i32
    %eq3A_256 = arith.constant 0 : i32
    %eq3A_257 = arith.cmpi eq, %jit3A_255, %eq3A_256 : i32
    %jit3A_258 = arith.constant 1 : i32
    %select_n3A_259 = arith.select %eq3A_257, %jit3A_258, %jit3A_255 : i32
    %rem3A_260 = arith.remsi %add3A_230, %select_n3A_259 : i32
    %ne3A_261 = arith.constant 0 : i32
    %ne3A_262 = arith.cmpi ne, %rem3A_260, %ne3A_261 : i32
    %lt3A_263 = arith.constant 0 : i32
    %lt3A_264 = arith.cmpi slt, %rem3A_260, %lt3A_263 : i32
    %lt3A_265 = arith.constant 0 : i32
    %lt3A_266 = arith.cmpi slt, %select_n3A_259, %lt3A_265 : i32
    %ne3A_267 = arith.xori %lt3A_264, %lt3A_266 : i1
    %and3A_268 = arith.andi %ne3A_267, %ne3A_262 : i1
    %add3A_269 = arith.addi %rem3A_260, %select_n3A_259 : i32
    %select_n3A_270 = arith.select %and3A_268, %add3A_269, %rem3A_260 : i32
    %mul3A_271 = arith.constant 128 : i32
    %mul3A_272 = arith.muli %select_n3A_270, %mul3A_271 : i32
    %dma_start3A = arith.constant 0 : i32
    %dma_start3A_273 = arith.constant 0 : i32
    %dma_start3A_274 = arith.constant 0 : i32
    %dma_start3A_275 = tpu.memref_slice %arg5[%dma_start3A, %dma_start3A_274] : memref<6x128xi32, #tpu.memory_space<vmem>> -> memref<1x128xi32, #tpu.memory_space<vmem>>
    %dma_start3A_276 = tpu.memref_squeeze %dma_start3A_275 : memref<1x128xi32, #tpu.memory_space<vmem>> -> memref<128xi32, #tpu.memory_space<vmem>>
    %dma_start3A_277 = arith.constant 0 : i32
    %dma_start3A_278 = tpu.memref_slice %arg2[%select_n3A_254, %dma_start3A_277] : memref<200x16384xi32, #tpu.memory_space<hbm>> -> memref<1x16384xi32, #tpu.memory_space<hbm>>
    %dma_start3A_279 = tpu.memref_squeeze %dma_start3A_278 : memref<1x16384xi32, #tpu.memory_space<hbm>> -> memref<16384xi32, #tpu.memory_space<hbm>>
    %dma_start3A_280 = tpu.memref_slice %dma_start3A_279[%mul3A_272] : memref<16384xi32, #tpu.memory_space<hbm>> -> memref<128xi32, #tpu.memory_space<hbm>>
    %dma_start3A_281 = tpu.memref_slice %arg8[%dma_start3A_273] : memref<6x!tpu.dma_semaphore, #tpu.memory_space<semaphore_mem>> -> memref<1x!tpu.dma_semaphore, #tpu.memory_space<semaphore_mem>>
    %dma_start3A_282 = tpu.memref_squeeze %dma_start3A_281 : memref<1x!tpu.dma_semaphore, #tpu.memory_space<semaphore_mem>> -> memref<!tpu.dma_semaphore, #tpu.memory_space<semaphore_mem>>
    %dma_start3A_283 = arith.constant 0 : i32
    %dma_start3A_284 = tpu.memref_slice %arg5[%dma_start3A, %dma_start3A_283] : memref<6x128xi32, #tpu.memory_space<vmem>> -> memref<1x128xi32, #tpu.memory_space<vmem>>
    %dma_start3A_285 = tpu.memref_squeeze %dma_start3A_284 : memref<1x128xi32, #tpu.memory_space<vmem>> -> memref<128xi32, #tpu.memory_space<vmem>>
    %dma_start3A_286 = arith.constant 0 : i32
    %dma_start3A_287 = tpu.memref_slice %arg2[%select_n3A_254, %dma_start3A_286] : memref<200x16384xi32, #tpu.memory_space<hbm>> -> memref<1x16384xi32, #tpu.memory_space<hbm>>
    %dma_start3A_288 = tpu.memref_squeeze %dma_start3A_287 : memref<1x16384xi32, #tpu.memory_space<hbm>> -> memref<16384xi32, #tpu.memory_space<hbm>>
    %dma_start3A_289 = tpu.memref_slice %dma_start3A_288[%mul3A_272] : memref<16384xi32, #tpu.memory_space<hbm>> -> memref<128xi32, #tpu.memory_space<hbm>>
    tpu.enqueue_dma source(%dma_start3A_289 : memref<128xi32, #tpu.memory_space<hbm>>) target(%dma_start3A_285 : memref<128xi32, #tpu.memory_space<vmem>>) target_semaphore(%dma_start3A_282 : memref<!tpu.dma_semaphore, #tpu.memory_space<semaphore_mem>>)
    %add3A_290 = arith.constant 1 : i32
    %add3A_291 = arith.addi %mul3A_2, %add3A_290 : i32
    %jit3A_292 = arith.constant 128 : i32
    %div3A_293 = arith.divsi %add3A_291, %jit3A_292 : i32
    %sign3A_294 = arith.constant 0 : i32
    %sign3A_295 = arith.cmpi sgt, %add3A_291, %sign3A_294 : i32
    %sign3A_296 = arith.extui %sign3A_295 : i1 to i32
    %sign3A_297 = arith.constant 0 : i32
    %sign3A_298 = arith.cmpi slt, %add3A_291, %sign3A_297 : i32
    %sign3A_299 = arith.extui %sign3A_298 : i1 to i32
    %sign3A_300 = arith.subi %sign3A_296, %sign3A_299 : i32
    %sign3A_301 = arith.constant 0 : i32
    %sign3A_302 = arith.cmpi sgt, %jit3A_292, %sign3A_301 : i32
    %sign3A_303 = arith.extui %sign3A_302 : i1 to i32
    %sign3A_304 = arith.constant 0 : i32
    %sign3A_305 = arith.cmpi slt, %jit3A_292, %sign3A_304 : i32
    %sign3A_306 = arith.extui %sign3A_305 : i1 to i32
    %sign3A_307 = arith.subi %sign3A_303, %sign3A_306 : i32
    %ne3A_308 = arith.cmpi ne, %sign3A_300, %sign3A_307 : i32
    %rem3A_309 = arith.remsi %add3A_291, %jit3A_292 : i32
    %ne3A_310 = arith.constant 0 : i32
    %ne3A_311 = arith.cmpi ne, %rem3A_309, %ne3A_310 : i32
    %and3A_312 = arith.andi %ne3A_308, %ne3A_311 : i1
    %sub3A_313 = arith.constant 1 : i32
    %sub3A_314 = arith.subi %div3A_293, %sub3A_313 : i32
    %select_n3A_315 = arith.select %and3A_312, %sub3A_314, %div3A_293 : i32
    %jit3A_316 = arith.constant 128 : i32
    %eq3A_317 = arith.constant 0 : i32
    %eq3A_318 = arith.cmpi eq, %jit3A_316, %eq3A_317 : i32
    %jit3A_319 = arith.constant 1 : i32
    %select_n3A_320 = arith.select %eq3A_318, %jit3A_319, %jit3A_316 : i32
    %rem3A_321 = arith.remsi %add3A_291, %select_n3A_320 : i32
    %ne3A_322 = arith.constant 0 : i32
    %ne3A_323 = arith.cmpi ne, %rem3A_321, %ne3A_322 : i32
    %lt3A_324 = arith.constant 0 : i32
    %lt3A_325 = arith.cmpi slt, %rem3A_321, %lt3A_324 : i32
    %lt3A_326 = arith.constant 0 : i32
    %lt3A_327 = arith.cmpi slt, %select_n3A_320, %lt3A_326 : i32
    %ne3A_328 = arith.xori %lt3A_325, %lt3A_327 : i1
    %and3A_329 = arith.andi %ne3A_328, %ne3A_323 : i1
    %add3A_330 = arith.addi %rem3A_321, %select_n3A_320 : i32
    %select_n3A_331 = arith.select %and3A_329, %add3A_330, %rem3A_321 : i32
    %mul3A_332 = arith.constant 128 : i32
    %mul3A_333 = arith.muli %select_n3A_331, %mul3A_332 : i32
    %dma_start3A_334 = arith.constant 1 : i32
    %dma_start3A_335 = arith.constant 1 : i32
    %dma_start3A_336 = arith.constant 0 : i32
    %dma_start3A_337 = tpu.memref_slice %arg5[%dma_start3A_334, %dma_start3A_336] : memref<6x128xi32, #tpu.memory_space<vmem>> -> memref<1x128xi32, #tpu.memory_space<vmem>>
    %dma_start3A_338 = tpu.memref_squeeze %dma_start3A_337 : memref<1x128xi32, #tpu.memory_space<vmem>> -> memref<128xi32, #tpu.memory_space<vmem>>
    %dma_start3A_339 = arith.constant 0 : i32
    %dma_start3A_340 = tpu.memref_slice %arg2[%select_n3A_315, %dma_start3A_339] : memref<200x16384xi32, #tpu.memory_space<hbm>> -> memref<1x16384xi32, #tpu.memory_space<hbm>>
    %dma_start3A_341 = tpu.memref_squeeze %dma_start3A_340 : memref<1x16384xi32, #tpu.memory_space<hbm>> -> memref<16384xi32, #tpu.memory_space<hbm>>
    %dma_start3A_342 = tpu.memref_slice %dma_start3A_341[%mul3A_333] : memref<16384xi32, #tpu.memory_space<hbm>> -> memref<128xi32, #tpu.memory_space<hbm>>
    %dma_start3A_343 = tpu.memref_slice %arg8[%dma_start3A_335] : memref<6x!tpu.dma_semaphore, #tpu.memory_space<semaphore_mem>> -> memref<1x!tpu.dma_semaphore, #tpu.memory_space<semaphore_mem>>
    %dma_start3A_344 = tpu.memref_squeeze %dma_start3A_343 : memref<1x!tpu.dma_semaphore, #tpu.memory_space<semaphore_mem>> -> memref<!tpu.dma_semaphore, #tpu.memory_space<semaphore_mem>>
    %dma_start3A_345 = arith.constant 0 : i32
    %dma_start3A_346 = tpu.memref_slice %arg5[%dma_start3A_334, %dma_start3A_345] : memref<6x128xi32, #tpu.memory_space<vmem>> -> memref<1x128xi32, #tpu.memory_space<vmem>>
    %dma_start3A_347 = tpu.memref_squeeze %dma_start3A_346 : memref<1x128xi32, #tpu.memory_space<vmem>> -> memref<128xi32, #tpu.memory_space<vmem>>
    %dma_start3A_348 = arith.constant 0 : i32
    %dma_start3A_349 = tpu.memref_slice %arg2[%select_n3A_315, %dma_start3A_348] : memref<200x16384xi32, #tpu.memory_space<hbm>> -> memref<1x16384xi32, #tpu.memory_space<hbm>>
    %dma_start3A_350 = tpu.memref_squeeze %dma_start3A_349 : memref<1x16384xi32, #tpu.memory_space<hbm>> -> memref<16384xi32, #tpu.memory_space<hbm>>
    %dma_start3A_351 = tpu.memref_slice %dma_start3A_350[%mul3A_333] : memref<16384xi32, #tpu.memory_space<hbm>> -> memref<128xi32, #tpu.memory_space<hbm>>
    tpu.enqueue_dma source(%dma_start3A_351 : memref<128xi32, #tpu.memory_space<hbm>>) target(%dma_start3A_347 : memref<128xi32, #tpu.memory_space<vmem>>) target_semaphore(%dma_start3A_344 : memref<!tpu.dma_semaphore, #tpu.memory_space<semaphore_mem>>)
    %add3A_352 = arith.constant 2 : i32
    %add3A_353 = arith.addi %mul3A_2, %add3A_352 : i32
    %jit3A_354 = arith.constant 128 : i32
    %div3A_355 = arith.divsi %add3A_353, %jit3A_354 : i32
    %sign3A_356 = arith.constant 0 : i32
    %sign3A_357 = arith.cmpi sgt, %add3A_353, %sign3A_356 : i32
    %sign3A_358 = arith.extui %sign3A_357 : i1 to i32
    %sign3A_359 = arith.constant 0 : i32
    %sign3A_360 = arith.cmpi slt, %add3A_353, %sign3A_359 : i32
    %sign3A_361 = arith.extui %sign3A_360 : i1 to i32
    %sign3A_362 = arith.subi %sign3A_358, %sign3A_361 : i32
    %sign3A_363 = arith.constant 0 : i32
    %sign3A_364 = arith.cmpi sgt, %jit3A_354, %sign3A_363 : i32
    %sign3A_365 = arith.extui %sign3A_364 : i1 to i32
    %sign3A_366 = arith.constant 0 : i32
    %sign3A_367 = arith.cmpi slt, %jit3A_354, %sign3A_366 : i32
    %sign3A_368 = arith.extui %sign3A_367 : i1 to i32
    %sign3A_369 = arith.subi %sign3A_365, %sign3A_368 : i32
    %ne3A_370 = arith.cmpi ne, %sign3A_362, %sign3A_369 : i32
    %rem3A_371 = arith.remsi %add3A_353, %jit3A_354 : i32
    %ne3A_372 = arith.constant 0 : i32
    %ne3A_373 = arith.cmpi ne, %rem3A_371, %ne3A_372 : i32
    %and3A_374 = arith.andi %ne3A_370, %ne3A_373 : i1
    %sub3A_375 = arith.constant 1 : i32
    %sub3A_376 = arith.subi %div3A_355, %sub3A_375 : i32
    %select_n3A_377 = arith.select %and3A_374, %sub3A_376, %div3A_355 : i32
    %jit3A_378 = arith.constant 128 : i32
    %eq3A_379 = arith.constant 0 : i32
    %eq3A_380 = arith.cmpi eq, %jit3A_378, %eq3A_379 : i32
    %jit3A_381 = arith.constant 1 : i32
    %select_n3A_382 = arith.select %eq3A_380, %jit3A_381, %jit3A_378 : i32
    %rem3A_383 = arith.remsi %add3A_353, %select_n3A_382 : i32
    %ne3A_384 = arith.constant 0 : i32
    %ne3A_385 = arith.cmpi ne, %rem3A_383, %ne3A_384 : i32
    %lt3A_386 = arith.constant 0 : i32
    %lt3A_387 = arith.cmpi slt, %rem3A_383, %lt3A_386 : i32
    %lt3A_388 = arith.constant 0 : i32
    %lt3A_389 = arith.cmpi slt, %select_n3A_382, %lt3A_388 : i32
    %ne3A_390 = arith.xori %lt3A_387, %lt3A_389 : i1
    %and3A_391 = arith.andi %ne3A_390, %ne3A_385 : i1
    %add3A_392 = arith.addi %rem3A_383, %select_n3A_382 : i32
    %select_n3A_393 = arith.select %and3A_391, %add3A_392, %rem3A_383 : i32
    %mul3A_394 = arith.constant 128 : i32
    %mul3A_395 = arith.muli %select_n3A_393, %mul3A_394 : i32
    %dma_start3A_396 = arith.constant 2 : i32
    %dma_start3A_397 = arith.constant 2 : i32
    %dma_start3A_398 = arith.constant 0 : i32
    %dma_start3A_399 = tpu.memref_slice %arg5[%dma_start3A_396, %dma_start3A_398] : memref<6x128xi32, #tpu.memory_space<vmem>> -> memref<1x128xi32, #tpu.memory_space<vmem>>
    %dma_start3A_400 = tpu.memref_squeeze %dma_start3A_399 : memref<1x128xi32, #tpu.memory_space<vmem>> -> memref<128xi32, #tpu.memory_space<vmem>>
    %dma_start3A_401 = arith.constant 0 : i32
    %dma_start3A_402 = tpu.memref_slice %arg2[%select_n3A_377, %dma_start3A_401] : memref<200x16384xi32, #tpu.memory_space<hbm>> -> memref<1x16384xi32, #tpu.memory_space<hbm>>
    %dma_start3A_403 = tpu.memref_squeeze %dma_start3A_402 : memref<1x16384xi32, #tpu.memory_space<hbm>> -> memref<16384xi32, #tpu.memory_space<hbm>>
    %dma_start3A_404 = tpu.memref_slice %dma_start3A_403[%mul3A_395] : memref<16384xi32, #tpu.memory_space<hbm>> -> memref<128xi32, #tpu.memory_space<hbm>>
    %dma_start3A_405 = tpu.memref_slice %arg8[%dma_start3A_397] : memref<6x!tpu.dma_semaphore, #tpu.memory_space<semaphore_mem>> -> memref<1x!tpu.dma_semaphore, #tpu.memory_space<semaphore_mem>>
    %dma_start3A_406 = tpu.memref_squeeze %dma_start3A_405 : memref<1x!tpu.dma_semaphore, #tpu.memory_space<semaphore_mem>> -> memref<!tpu.dma_semaphore, #tpu.memory_space<semaphore_mem>>
    %dma_start3A_407 = arith.constant 0 : i32
    %dma_start3A_408 = tpu.memref_slice %arg5[%dma_start3A_396, %dma_start3A_407] : memref<6x128xi32, #tpu.memory_space<vmem>> -> memref<1x128xi32, #tpu.memory_space<vmem>>
    %dma_start3A_409 = tpu.memref_squeeze %dma_start3A_408 : memref<1x128xi32, #tpu.memory_space<vmem>> -> memref<128xi32, #tpu.memory_space<vmem>>
    %dma_start3A_410 = arith.constant 0 : i32
    %dma_start3A_411 = tpu.memref_slice %arg2[%select_n3A_377, %dma_start3A_410] : memref<200x16384xi32, #tpu.memory_space<hbm>> -> memref<1x16384xi32, #tpu.memory_space<hbm>>
    %dma_start3A_412 = tpu.memref_squeeze %dma_start3A_411 : memref<1x16384xi32, #tpu.memory_space<hbm>> -> memref<16384xi32, #tpu.memory_space<hbm>>
    %dma_start3A_413 = tpu.memref_slice %dma_start3A_412[%mul3A_395] : memref<16384xi32, #tpu.memory_space<hbm>> -> memref<128xi32, #tpu.memory_space<hbm>>
    tpu.enqueue_dma source(%dma_start3A_413 : memref<128xi32, #tpu.memory_space<hbm>>) target(%dma_start3A_409 : memref<128xi32, #tpu.memory_space<vmem>>) target_semaphore(%dma_start3A_406 : memref<!tpu.dma_semaphore, #tpu.memory_space<semaphore_mem>>)
    %add3A_414 = arith.constant 3 : i32
    %add3A_415 = arith.addi %mul3A_2, %add3A_414 : i32
    %jit3A_416 = arith.constant 128 : i32
    %div3A_417 = arith.divsi %add3A_415, %jit3A_416 : i32
    %sign3A_418 = arith.constant 0 : i32
    %sign3A_419 = arith.cmpi sgt, %add3A_415, %sign3A_418 : i32
    %sign3A_420 = arith.extui %sign3A_419 : i1 to i32
    %sign3A_421 = arith.constant 0 : i32
    %sign3A_422 = arith.cmpi slt, %add3A_415, %sign3A_421 : i32
    %sign3A_423 = arith.extui %sign3A_422 : i1 to i32
    %sign3A_424 = arith.subi %sign3A_420, %sign3A_423 : i32
    %sign3A_425 = arith.constant 0 : i32
    %sign3A_426 = arith.cmpi sgt, %jit3A_416, %sign3A_425 : i32
    %sign3A_427 = arith.extui %sign3A_426 : i1 to i32
    %sign3A_428 = arith.constant 0 : i32
    %sign3A_429 = arith.cmpi slt, %jit3A_416, %sign3A_428 : i32
    %sign3A_430 = arith.extui %sign3A_429 : i1 to i32
    %sign3A_431 = arith.subi %sign3A_427, %sign3A_430 : i32
    %ne3A_432 = arith.cmpi ne, %sign3A_424, %sign3A_431 : i32
    %rem3A_433 = arith.remsi %add3A_415, %jit3A_416 : i32
    %ne3A_434 = arith.constant 0 : i32
    %ne3A_435 = arith.cmpi ne, %rem3A_433, %ne3A_434 : i32
    %and3A_436 = arith.andi %ne3A_432, %ne3A_435 : i1
    %sub3A_437 = arith.constant 1 : i32
    %sub3A_438 = arith.subi %div3A_417, %sub3A_437 : i32
    %select_n3A_439 = arith.select %and3A_436, %sub3A_438, %div3A_417 : i32
    %jit3A_440 = arith.constant 128 : i32
    %eq3A_441 = arith.constant 0 : i32
    %eq3A_442 = arith.cmpi eq, %jit3A_440, %eq3A_441 : i32
    %jit3A_443 = arith.constant 1 : i32
    %select_n3A_444 = arith.select %eq3A_442, %jit3A_443, %jit3A_440 : i32
    %rem3A_445 = arith.remsi %add3A_415, %select_n3A_444 : i32
    %ne3A_446 = arith.constant 0 : i32
    %ne3A_447 = arith.cmpi ne, %rem3A_445, %ne3A_446 : i32
    %lt3A_448 = arith.constant 0 : i32
    %lt3A_449 = arith.cmpi slt, %rem3A_445, %lt3A_448 : i32
    %lt3A_450 = arith.constant 0 : i32
    %lt3A_451 = arith.cmpi slt, %select_n3A_444, %lt3A_450 : i32
    %ne3A_452 = arith.xori %lt3A_449, %lt3A_451 : i1
    %and3A_453 = arith.andi %ne3A_452, %ne3A_447 : i1
    %add3A_454 = arith.addi %rem3A_445, %select_n3A_444 : i32
    %select_n3A_455 = arith.select %and3A_453, %add3A_454, %rem3A_445 : i32
    %mul3A_456 = arith.constant 128 : i32
    %mul3A_457 = arith.muli %select_n3A_455, %mul3A_456 : i32
    %dma_start3A_458 = arith.constant 3 : i32
    %dma_start3A_459 = arith.constant 3 : i32
    %dma_start3A_460 = arith.constant 0 : i32
    %dma_start3A_461 = tpu.memref_slice %arg5[%dma_start3A_458, %dma_start3A_460] : memref<6x128xi32, #tpu.memory_space<vmem>> -> memref<1x128xi32, #tpu.memory_space<vmem>>
    %dma_start3A_462 = tpu.memref_squeeze %dma_start3A_461 : memref<1x128xi32, #tpu.memory_space<vmem>> -> memref<128xi32, #tpu.memory_space<vmem>>
    %dma_start3A_463 = arith.constant 0 : i32
    %dma_start3A_464 = tpu.memref_slice %arg2[%select_n3A_439, %dma_start3A_463] : memref<200x16384xi32, #tpu.memory_space<hbm>> -> memref<1x16384xi32, #tpu.memory_space<hbm>>
    %dma_start3A_465 = tpu.memref_squeeze %dma_start3A_464 : memref<1x16384xi32, #tpu.memory_space<hbm>> -> memref<16384xi32, #tpu.memory_space<hbm>>
    %dma_start3A_466 = tpu.memref_slice %dma_start3A_465[%mul3A_457] : memref<16384xi32, #tpu.memory_space<hbm>> -> memref<128xi32, #tpu.memory_space<hbm>>
    %dma_start3A_467 = tpu.memref_slice %arg8[%dma_start3A_459] : memref<6x!tpu.dma_semaphore, #tpu.memory_space<semaphore_mem>> -> memref<1x!tpu.dma_semaphore, #tpu.memory_space<semaphore_mem>>
    %dma_start3A_468 = tpu.memref_squeeze %dma_start3A_467 : memref<1x!tpu.dma_semaphore, #tpu.memory_space<semaphore_mem>> -> memref<!tpu.dma_semaphore, #tpu.memory_space<semaphore_mem>>
    %dma_start3A_469 = arith.constant 0 : i32
    %dma_start3A_470 = tpu.memref_slice %arg5[%dma_start3A_458, %dma_start3A_469] : memref<6x128xi32, #tpu.memory_space<vmem>> -> memref<1x128xi32, #tpu.memory_space<vmem>>
    %dma_start3A_471 = tpu.memref_squeeze %dma_start3A_470 : memref<1x128xi32, #tpu.memory_space<vmem>> -> memref<128xi32, #tpu.memory_space<vmem>>
    %dma_start3A_472 = arith.constant 0 : i32
    %dma_start3A_473 = tpu.memref_slice %arg2[%select_n3A_439, %dma_start3A_472] : memref<200x16384xi32, #tpu.memory_space<hbm>> -> memref<1x16384xi32, #tpu.memory_space<hbm>>
    %dma_start3A_474 = tpu.memref_squeeze %dma_start3A_473 : memref<1x16384xi32, #tpu.memory_space<hbm>> -> memref<16384xi32, #tpu.memory_space<hbm>>
    %dma_start3A_475 = tpu.memref_slice %dma_start3A_474[%mul3A_457] : memref<16384xi32, #tpu.memory_space<hbm>> -> memref<128xi32, #tpu.memory_space<hbm>>
    tpu.enqueue_dma source(%dma_start3A_475 : memref<128xi32, #tpu.memory_space<hbm>>) target(%dma_start3A_471 : memref<128xi32, #tpu.memory_space<vmem>>) target_semaphore(%dma_start3A_468 : memref<!tpu.dma_semaphore, #tpu.memory_space<semaphore_mem>>)
    %add3A_476 = arith.constant 0 : i32
    %add3A_477 = arith.addi %mul3A_2, %add3A_476 : i32
    %jit3A_478 = arith.constant 128 : i32
    %div3A_479 = arith.divsi %add3A_477, %jit3A_478 : i32
    %sign3A_480 = arith.constant 0 : i32
    %sign3A_481 = arith.cmpi sgt, %add3A_477, %sign3A_480 : i32
    %sign3A_482 = arith.extui %sign3A_481 : i1 to i32
    %sign3A_483 = arith.constant 0 : i32
    %sign3A_484 = arith.cmpi slt, %add3A_477, %sign3A_483 : i32
    %sign3A_485 = arith.extui %sign3A_484 : i1 to i32
    %sign3A_486 = arith.subi %sign3A_482, %sign3A_485 : i32
    %sign3A_487 = arith.constant 0 : i32
    %sign3A_488 = arith.cmpi sgt, %jit3A_478, %sign3A_487 : i32
    %sign3A_489 = arith.extui %sign3A_488 : i1 to i32
    %sign3A_490 = arith.constant 0 : i32
    %sign3A_491 = arith.cmpi slt, %jit3A_478, %sign3A_490 : i32
    %sign3A_492 = arith.extui %sign3A_491 : i1 to i32
    %sign3A_493 = arith.subi %sign3A_489, %sign3A_492 : i32
    %ne3A_494 = arith.cmpi ne, %sign3A_486, %sign3A_493 : i32
    %rem3A_495 = arith.remsi %add3A_477, %jit3A_478 : i32
    %ne3A_496 = arith.constant 0 : i32
    %ne3A_497 = arith.cmpi ne, %rem3A_495, %ne3A_496 : i32
    %and3A_498 = arith.andi %ne3A_494, %ne3A_497 : i1
    %sub3A_499 = arith.constant 1 : i32
    %sub3A_500 = arith.subi %div3A_479, %sub3A_499 : i32
    %select_n3A_501 = arith.select %and3A_498, %sub3A_500, %div3A_479 : i32
    %jit3A_502 = arith.constant 128 : i32
    %eq3A_503 = arith.constant 0 : i32
    %eq3A_504 = arith.cmpi eq, %jit3A_502, %eq3A_503 : i32
    %jit3A_505 = arith.constant 1 : i32
    %select_n3A_506 = arith.select %eq3A_504, %jit3A_505, %jit3A_502 : i32
    %rem3A_507 = arith.remsi %add3A_477, %select_n3A_506 : i32
    %ne3A_508 = arith.constant 0 : i32
    %ne3A_509 = arith.cmpi ne, %rem3A_507, %ne3A_508 : i32
    %lt3A_510 = arith.constant 0 : i32
    %lt3A_511 = arith.cmpi slt, %rem3A_507, %lt3A_510 : i32
    %lt3A_512 = arith.constant 0 : i32
    %lt3A_513 = arith.cmpi slt, %select_n3A_506, %lt3A_512 : i32
    %ne3A_514 = arith.xori %lt3A_511, %lt3A_513 : i1
    %and3A_515 = arith.andi %ne3A_514, %ne3A_509 : i1
    %add3A_516 = arith.addi %rem3A_507, %select_n3A_506 : i32
    %select_n3A_517 = arith.select %and3A_515, %add3A_516, %rem3A_507 : i32
    %mul3A_518 = arith.constant 128 : i32
    %mul3A_519 = arith.muli %select_n3A_517, %mul3A_518 : i32
    %dma_wait3A = arith.constant 0 : i32
    %dma_wait3A_520 = arith.constant 0 : i32
    %dma_wait3A_521 = arith.constant 0 : i32
    %dma_wait3A_522 = tpu.memref_slice %arg5[%dma_wait3A, %dma_wait3A_521] : memref<6x128xi32, #tpu.memory_space<vmem>> -> memref<1x128xi32, #tpu.memory_space<vmem>>
    %dma_wait3A_523 = tpu.memref_squeeze %dma_wait3A_522 : memref<1x128xi32, #tpu.memory_space<vmem>> -> memref<128xi32, #tpu.memory_space<vmem>>
    %dma_wait3A_524 = arith.constant 0 : i32
    %dma_wait3A_525 = tpu.memref_slice %arg2[%select_n3A_501, %dma_wait3A_524] : memref<200x16384xi32, #tpu.memory_space<hbm>> -> memref<1x16384xi32, #tpu.memory_space<hbm>>
    %dma_wait3A_526 = tpu.memref_squeeze %dma_wait3A_525 : memref<1x16384xi32, #tpu.memory_space<hbm>> -> memref<16384xi32, #tpu.memory_space<hbm>>
    %dma_wait3A_527 = tpu.memref_slice %dma_wait3A_526[%mul3A_519] : memref<16384xi32, #tpu.memory_space<hbm>> -> memref<128xi32, #tpu.memory_space<hbm>>
    %dma_wait3A_528 = tpu.memref_slice %arg8[%dma_wait3A_520] : memref<6x!tpu.dma_semaphore, #tpu.memory_space<semaphore_mem>> -> memref<1x!tpu.dma_semaphore, #tpu.memory_space<semaphore_mem>>
    %dma_wait3A_529 = tpu.memref_squeeze %dma_wait3A_528 : memref<1x!tpu.dma_semaphore, #tpu.memory_space<semaphore_mem>> -> memref<!tpu.dma_semaphore, #tpu.memory_space<semaphore_mem>>
    %dma_wait3A_530 = arith.constant 0 : i32
    %dma_wait3A_531 = tpu.memref_slice %arg5[%dma_wait3A, %dma_wait3A_530] : memref<6x128xi32, #tpu.memory_space<vmem>> -> memref<1x128xi32, #tpu.memory_space<vmem>>
    %dma_wait3A_532 = tpu.memref_squeeze %dma_wait3A_531 : memref<1x128xi32, #tpu.memory_space<vmem>> -> memref<128xi32, #tpu.memory_space<vmem>>
    %dma_wait3A_533 = arith.constant 0 : i32
    %dma_wait3A_534 = tpu.memref_slice %arg2[%select_n3A_501, %dma_wait3A_533] : memref<200x16384xi32, #tpu.memory_space<hbm>> -> memref<1x16384xi32, #tpu.memory_space<hbm>>
    %dma_wait3A_535 = tpu.memref_squeeze %dma_wait3A_534 : memref<1x16384xi32, #tpu.memory_space<hbm>> -> memref<16384xi32, #tpu.memory_space<hbm>>
    %dma_wait3A_536 = tpu.memref_slice %dma_wait3A_535[%mul3A_519] : memref<16384xi32, #tpu.memory_space<hbm>> -> memref<128xi32, #tpu.memory_space<hbm>>
    tpu.wait_dma2 semaphore(%dma_wait3A_529 : memref<!tpu.dma_semaphore, #tpu.memory_space<semaphore_mem>>) src(%dma_wait3A_536 : memref<128xi32, #tpu.memory_space<hbm>>) dst(%dma_wait3A_532 : memref<128xi32, #tpu.memory_space<vmem>>)
    %dma_start3A_537 = arith.constant 0 : i32
    %dma_start3A_538 = arith.constant 0 : i32
    %dma_start3A_539 = arith.constant 0 : i32
    %dma_start3A_540 = arith.constant 0 : i32
    %dma_start3A_541 = arith.constant 0 : i32
    %dma_start3A_542 = tpu.memref_slice %arg6[%dma_start3A_538, %dma_start3A_540, %dma_start3A_541] : memref<6x128x64xf32, #tpu.memory_space<vmem>> -> memref<1x128x64xf32, #tpu.memory_space<vmem>>
    %dma_start3A_543 = tpu.memref_squeeze %dma_start3A_542 : memref<1x128x64xf32, #tpu.memory_space<vmem>> -> memref<128x64xf32, #tpu.memory_space<vmem>>
    %dma_start3A_544 = arith.constant 0 : i32
    %dma_start3A_545 = tpu.memref_slice %arg5[%dma_start3A_537, %dma_start3A_544] : memref<6x128xi32, #tpu.memory_space<vmem>> -> memref<1x128xi32, #tpu.memory_space<vmem>>
    %dma_start3A_546 = tpu.memref_squeeze %dma_start3A_545 : memref<1x128xi32, #tpu.memory_space<vmem>> -> memref<128xi32, #tpu.memory_space<vmem>>
    %dma_start3A_547 = arith.constant 0 : i32
    %dma_start3A_548 = arith.constant 0 : i32
    %dma_start3A_549 = tpu.memref_slice %arg3[%dma_start3A_547, %dma_start3A_548] : memref<1000000x64xf32, #tpu.memory_space<hbm>> -> memref<1000000x64xf32, #tpu.memory_space<hbm>>
    %dma_start3A_550 = tpu.memref_slice %arg9[%dma_start3A_539] : memref<6x!tpu.dma_semaphore, #tpu.memory_space<semaphore_mem>> -> memref<1x!tpu.dma_semaphore, #tpu.memory_space<semaphore_mem>>
    %dma_start3A_551 = tpu.memref_squeeze %dma_start3A_550 : memref<1x!tpu.dma_semaphore, #tpu.memory_space<semaphore_mem>> -> memref<!tpu.dma_semaphore, #tpu.memory_space<semaphore_mem>>
    tpu.enqueue_indirect_dma source(%dma_start3A_549 : memref<1000000x64xf32, #tpu.memory_space<hbm>>) target(%dma_start3A_543 : memref<128x64xf32, #tpu.memory_space<vmem>>) offsets(%dma_start3A_546 : memref<128xi32, #tpu.memory_space<vmem>>) semaphore(%dma_start3A_551 : memref<!tpu.dma_semaphore, #tpu.memory_space<semaphore_mem>>)
    %add3A_552 = arith.constant 1 : i32
    %add3A_553 = arith.addi %mul3A_2, %add3A_552 : i32
    %jit3A_554 = arith.constant 128 : i32
    %div3A_555 = arith.divsi %add3A_553, %jit3A_554 : i32
    %sign3A_556 = arith.constant 0 : i32
    %sign3A_557 = arith.cmpi sgt, %add3A_553, %sign3A_556 : i32
    %sign3A_558 = arith.extui %sign3A_557 : i1 to i32
    %sign3A_559 = arith.constant 0 : i32
    %sign3A_560 = arith.cmpi slt, %add3A_553, %sign3A_559 : i32
    %sign3A_561 = arith.extui %sign3A_560 : i1 to i32
    %sign3A_562 = arith.subi %sign3A_558, %sign3A_561 : i32
    %sign3A_563 = arith.constant 0 : i32
    %sign3A_564 = arith.cmpi sgt, %jit3A_554, %sign3A_563 : i32
    %sign3A_565 = arith.extui %sign3A_564 : i1 to i32
    %sign3A_566 = arith.constant 0 : i32
    %sign3A_567 = arith.cmpi slt, %jit3A_554, %sign3A_566 : i32
    %sign3A_568 = arith.extui %sign3A_567 : i1 to i32
    %sign3A_569 = arith.subi %sign3A_565, %sign3A_568 : i32
    %ne3A_570 = arith.cmpi ne, %sign3A_562, %sign3A_569 : i32
    %rem3A_571 = arith.remsi %add3A_553, %jit3A_554 : i32
    %ne3A_572 = arith.constant 0 : i32
    %ne3A_573 = arith.cmpi ne, %rem3A_571, %ne3A_572 : i32
    %and3A_574 = arith.andi %ne3A_570, %ne3A_573 : i1
    %sub3A_575 = arith.constant 1 : i32
    %sub3A_576 = arith.subi %div3A_555, %sub3A_575 : i32
    %select_n3A_577 = arith.select %and3A_574, %sub3A_576, %div3A_555 : i32
    %jit3A_578 = arith.constant 128 : i32
    %eq3A_579 = arith.constant 0 : i32
    %eq3A_580 = arith.cmpi eq, %jit3A_578, %eq3A_579 : i32
    %jit3A_581 = arith.constant 1 : i32
    %select_n3A_582 = arith.select %eq3A_580, %jit3A_581, %jit3A_578 : i32
    %rem3A_583 = arith.remsi %add3A_553, %select_n3A_582 : i32
    %ne3A_584 = arith.constant 0 : i32
    %ne3A_585 = arith.cmpi ne, %rem3A_583, %ne3A_584 : i32
    %lt3A_586 = arith.constant 0 : i32
    %lt3A_587 = arith.cmpi slt, %rem3A_583, %lt3A_586 : i32
    %lt3A_588 = arith.constant 0 : i32
    %lt3A_589 = arith.cmpi slt, %select_n3A_582, %lt3A_588 : i32
    %ne3A_590 = arith.xori %lt3A_587, %lt3A_589 : i1
    %and3A_591 = arith.andi %ne3A_590, %ne3A_585 : i1
    %add3A_592 = arith.addi %rem3A_583, %select_n3A_582 : i32
    %select_n3A_593 = arith.select %and3A_591, %add3A_592, %rem3A_583 : i32
    %mul3A_594 = arith.constant 128 : i32
    %mul3A_595 = arith.muli %select_n3A_593, %mul3A_594 : i32
    %dma_wait3A_596 = arith.constant 1 : i32
    %dma_wait3A_597 = arith.constant 1 : i32
    %dma_wait3A_598 = arith.constant 0 : i32
    %dma_wait3A_599 = tpu.memref_slice %arg5[%dma_wait3A_596, %dma_wait3A_598] : memref<6x128xi32, #tpu.memory_space<vmem>> -> memref<1x128xi32, #tpu.memory_space<vmem>>
    %dma_wait3A_600 = tpu.memref_squeeze %dma_wait3A_599 : memref<1x128xi32, #tpu.memory_space<vmem>> -> memref<128xi32, #tpu.memory_space<vmem>>
    %dma_wait3A_601 = arith.constant 0 : i32
    %dma_wait3A_602 = tpu.memref_slice %arg2[%select_n3A_577, %dma_wait3A_601] : memref<200x16384xi32, #tpu.memory_space<hbm>> -> memref<1x16384xi32, #tpu.memory_space<hbm>>
    %dma_wait3A_603 = tpu.memref_squeeze %dma_wait3A_602 : memref<1x16384xi32, #tpu.memory_space<hbm>> -> memref<16384xi32, #tpu.memory_space<hbm>>
    %dma_wait3A_604 = tpu.memref_slice %dma_wait3A_603[%mul3A_595] : memref<16384xi32, #tpu.memory_space<hbm>> -> memref<128xi32, #tpu.memory_space<hbm>>
    %dma_wait3A_605 = tpu.memref_slice %arg8[%dma_wait3A_597] : memref<6x!tpu.dma_semaphore, #tpu.memory_space<semaphore_mem>> -> memref<1x!tpu.dma_semaphore, #tpu.memory_space<semaphore_mem>>
    %dma_wait3A_606 = tpu.memref_squeeze %dma_wait3A_605 : memref<1x!tpu.dma_semaphore, #tpu.memory_space<semaphore_mem>> -> memref<!tpu.dma_semaphore, #tpu.memory_space<semaphore_mem>>
    %dma_wait3A_607 = arith.constant 0 : i32
    %dma_wait3A_608 = tpu.memref_slice %arg5[%dma_wait3A_596, %dma_wait3A_607] : memref<6x128xi32, #tpu.memory_space<vmem>> -> memref<1x128xi32, #tpu.memory_space<vmem>>
    %dma_wait3A_609 = tpu.memref_squeeze %dma_wait3A_608 : memref<1x128xi32, #tpu.memory_space<vmem>> -> memref<128xi32, #tpu.memory_space<vmem>>
    %dma_wait3A_610 = arith.constant 0 : i32
    %dma_wait3A_611 = tpu.memref_slice %arg2[%select_n3A_577, %dma_wait3A_610] : memref<200x16384xi32, #tpu.memory_space<hbm>> -> memref<1x16384xi32, #tpu.memory_space<hbm>>
    %dma_wait3A_612 = tpu.memref_squeeze %dma_wait3A_611 : memref<1x16384xi32, #tpu.memory_space<hbm>> -> memref<16384xi32, #tpu.memory_space<hbm>>
    %dma_wait3A_613 = tpu.memref_slice %dma_wait3A_612[%mul3A_595] : memref<16384xi32, #tpu.memory_space<hbm>> -> memref<128xi32, #tpu.memory_space<hbm>>
    tpu.wait_dma2 semaphore(%dma_wait3A_606 : memref<!tpu.dma_semaphore, #tpu.memory_space<semaphore_mem>>) src(%dma_wait3A_613 : memref<128xi32, #tpu.memory_space<hbm>>) dst(%dma_wait3A_609 : memref<128xi32, #tpu.memory_space<vmem>>)
    %dma_start3A_614 = arith.constant 1 : i32
    %dma_start3A_615 = arith.constant 1 : i32
    %dma_start3A_616 = arith.constant 1 : i32
    %dma_start3A_617 = arith.constant 0 : i32
    %dma_start3A_618 = arith.constant 0 : i32
    %dma_start3A_619 = tpu.memref_slice %arg6[%dma_start3A_615, %dma_start3A_617, %dma_start3A_618] : memref<6x128x64xf32, #tpu.memory_space<vmem>> -> memref<1x128x64xf32, #tpu.memory_space<vmem>>
    %dma_start3A_620 = tpu.memref_squeeze %dma_start3A_619 : memref<1x128x64xf32, #tpu.memory_space<vmem>> -> memref<128x64xf32, #tpu.memory_space<vmem>>
    %dma_start3A_621 = arith.constant 0 : i32
    %dma_start3A_622 = tpu.memref_slice %arg5[%dma_start3A_614, %dma_start3A_621] : memref<6x128xi32, #tpu.memory_space<vmem>> -> memref<1x128xi32, #tpu.memory_space<vmem>>
    %dma_start3A_623 = tpu.memref_squeeze %dma_start3A_622 : memref<1x128xi32, #tpu.memory_space<vmem>> -> memref<128xi32, #tpu.memory_space<vmem>>
    %dma_start3A_624 = arith.constant 0 : i32
    %dma_start3A_625 = arith.constant 0 : i32
    %dma_start3A_626 = tpu.memref_slice %arg3[%dma_start3A_624, %dma_start3A_625] : memref<1000000x64xf32, #tpu.memory_space<hbm>> -> memref<1000000x64xf32, #tpu.memory_space<hbm>>
    %dma_start3A_627 = tpu.memref_slice %arg9[%dma_start3A_616] : memref<6x!tpu.dma_semaphore, #tpu.memory_space<semaphore_mem>> -> memref<1x!tpu.dma_semaphore, #tpu.memory_space<semaphore_mem>>
    %dma_start3A_628 = tpu.memref_squeeze %dma_start3A_627 : memref<1x!tpu.dma_semaphore, #tpu.memory_space<semaphore_mem>> -> memref<!tpu.dma_semaphore, #tpu.memory_space<semaphore_mem>>
    tpu.enqueue_indirect_dma source(%dma_start3A_626 : memref<1000000x64xf32, #tpu.memory_space<hbm>>) target(%dma_start3A_620 : memref<128x64xf32, #tpu.memory_space<vmem>>) offsets(%dma_start3A_623 : memref<128xi32, #tpu.memory_space<vmem>>) semaphore(%dma_start3A_628 : memref<!tpu.dma_semaphore, #tpu.memory_space<semaphore_mem>>)
    %scan3A = arith.constant 0 : i32
    %scan3A_629 = arith.constant 0 : i32
    %scan3A_630 = arith.constant 800 : i32
    %scan3A_631 = arith.addi %scan3A_629, %scan3A_630 : i32
    %scan3A_632 = arith.constant 1 : i32
    scf.for %scan3A_1150 = %scan3A_629 to %scan3A_631 step %scan3A_632  : i32 {
      %rem3A_1151 = arith.constant 6 : i32
      %rem3A_1152 = arith.remsi %scan3A_1150, %rem3A_1151 : i32
      %add3A_1153 = arith.constant 2 : i32
      %add3A_1154 = arith.addi %scan3A_1150, %add3A_1153 : i32
      %rem3A_1155 = arith.constant 6 : i32
      %rem3A_1156 = arith.remsi %add3A_1154, %rem3A_1155 : i32
      %add3A_1157 = arith.constant 4 : i32
      %add3A_1158 = arith.addi %scan3A_1150, %add3A_1157 : i32
      %rem3A_1159 = arith.constant 6 : i32
      %rem3A_1160 = arith.remsi %add3A_1158, %rem3A_1159 : i32
      %lt3A_1161 = arith.constant 798 : i32
      %lt3A_1162 = arith.cmpi slt, %scan3A_1150, %lt3A_1161 : i32
      %convert_element_type3A = arith.extui %lt3A_1162 : i1 to i32
      %cond3A = arith.constant 0 : i32
      %cond3A_1163 = arith.cmpi ne, %convert_element_type3A, %cond3A : i32
      scf.if %cond3A_1163 {
        %add3A_1270 = arith.constant 2 : i32
        %add3A_1271 = arith.addi %scan3A_1150, %add3A_1270 : i32
        %add3A_1272 = arith.addi %mul3A_2, %add3A_1271 : i32
        %jit3A_1273 = arith.constant 128 : i32
        %div3A_1274 = arith.divsi %add3A_1272, %jit3A_1273 : i32
        %sign3A_1275 = arith.constant 0 : i32
        %sign3A_1276 = arith.cmpi sgt, %add3A_1272, %sign3A_1275 : i32
        %sign3A_1277 = arith.extui %sign3A_1276 : i1 to i32
        %sign3A_1278 = arith.constant 0 : i32
        %sign3A_1279 = arith.cmpi slt, %add3A_1272, %sign3A_1278 : i32
        %sign3A_1280 = arith.extui %sign3A_1279 : i1 to i32
        %sign3A_1281 = arith.subi %sign3A_1277, %sign3A_1280 : i32
        %sign3A_1282 = arith.constant 0 : i32
        %sign3A_1283 = arith.cmpi sgt, %jit3A_1273, %sign3A_1282 : i32
        %sign3A_1284 = arith.extui %sign3A_1283 : i1 to i32
        %sign3A_1285 = arith.constant 0 : i32
        %sign3A_1286 = arith.cmpi slt, %jit3A_1273, %sign3A_1285 : i32
        %sign3A_1287 = arith.extui %sign3A_1286 : i1 to i32
        %sign3A_1288 = arith.subi %sign3A_1284, %sign3A_1287 : i32
        %ne3A_1289 = arith.cmpi ne, %sign3A_1281, %sign3A_1288 : i32
        %rem3A_1290 = arith.remsi %add3A_1272, %jit3A_1273 : i32
        %ne3A_1291 = arith.constant 0 : i32
        %ne3A_1292 = arith.cmpi ne, %rem3A_1290, %ne3A_1291 : i32
        %and3A_1293 = arith.andi %ne3A_1289, %ne3A_1292 : i1
        %sub3A_1294 = arith.constant 1 : i32
        %sub3A_1295 = arith.subi %div3A_1274, %sub3A_1294 : i32
        %select_n3A_1296 = arith.select %and3A_1293, %sub3A_1295, %div3A_1274 : i32
        %jit3A_1297 = arith.constant 128 : i32
        %eq3A_1298 = arith.constant 0 : i32
        %eq3A_1299 = arith.cmpi eq, %jit3A_1297, %eq3A_1298 : i32
        %jit3A_1300 = arith.constant 1 : i32
        %select_n3A_1301 = arith.select %eq3A_1299, %jit3A_1300, %jit3A_1297 : i32
        %rem3A_1302 = arith.remsi %add3A_1272, %select_n3A_1301 : i32
        %ne3A_1303 = arith.constant 0 : i32
        %ne3A_1304 = arith.cmpi ne, %rem3A_1302, %ne3A_1303 : i32
        %lt3A_1305 = arith.constant 0 : i32
        %lt3A_1306 = arith.cmpi slt, %rem3A_1302, %lt3A_1305 : i32
        %lt3A_1307 = arith.constant 0 : i32
        %lt3A_1308 = arith.cmpi slt, %select_n3A_1301, %lt3A_1307 : i32
        %ne3A_1309 = arith.xori %lt3A_1306, %lt3A_1308 : i1
        %and3A_1310 = arith.andi %ne3A_1309, %ne3A_1304 : i1
        %add3A_1311 = arith.addi %rem3A_1302, %select_n3A_1301 : i32
        %select_n3A_1312 = arith.select %and3A_1310, %add3A_1311, %rem3A_1302 : i32
        %mul3A_1313 = arith.constant 128 : i32
        %mul3A_1314 = arith.muli %select_n3A_1312, %mul3A_1313 : i32
        %dma_wait3A_1315 = arith.constant 0 : i32
        %dma_wait3A_1316 = tpu.memref_slice %arg5[%rem3A_1156, %dma_wait3A_1315] : memref<6x128xi32, #tpu.memory_space<vmem>> -> memref<1x128xi32, #tpu.memory_space<vmem>>
        %dma_wait3A_1317 = tpu.memref_squeeze %dma_wait3A_1316 : memref<1x128xi32, #tpu.memory_space<vmem>> -> memref<128xi32, #tpu.memory_space<vmem>>
        %dma_wait3A_1318 = arith.constant 0 : i32
        %dma_wait3A_1319 = tpu.memref_slice %arg2[%select_n3A_1296, %dma_wait3A_1318] : memref<200x16384xi32, #tpu.memory_space<hbm>> -> memref<1x16384xi32, #tpu.memory_space<hbm>>
        %dma_wait3A_1320 = tpu.memref_squeeze %dma_wait3A_1319 : memref<1x16384xi32, #tpu.memory_space<hbm>> -> memref<16384xi32, #tpu.memory_space<hbm>>
        %dma_wait3A_1321 = tpu.memref_slice %dma_wait3A_1320[%mul3A_1314] : memref<16384xi32, #tpu.memory_space<hbm>> -> memref<128xi32, #tpu.memory_space<hbm>>
        %dma_wait3A_1322 = tpu.memref_slice %arg8[%rem3A_1156] : memref<6x!tpu.dma_semaphore, #tpu.memory_space<semaphore_mem>> -> memref<1x!tpu.dma_semaphore, #tpu.memory_space<semaphore_mem>>
        %dma_wait3A_1323 = tpu.memref_squeeze %dma_wait3A_1322 : memref<1x!tpu.dma_semaphore, #tpu.memory_space<semaphore_mem>> -> memref<!tpu.dma_semaphore, #tpu.memory_space<semaphore_mem>>
        %dma_wait3A_1324 = arith.constant 0 : i32
        %dma_wait3A_1325 = tpu.memref_slice %arg5[%rem3A_1156, %dma_wait3A_1324] : memref<6x128xi32, #tpu.memory_space<vmem>> -> memref<1x128xi32, #tpu.memory_space<vmem>>
        %dma_wait3A_1326 = tpu.memref_squeeze %dma_wait3A_1325 : memref<1x128xi32, #tpu.memory_space<vmem>> -> memref<128xi32, #tpu.memory_space<vmem>>
        %dma_wait3A_1327 = arith.constant 0 : i32
        %dma_wait3A_1328 = tpu.memref_slice %arg2[%select_n3A_1296, %dma_wait3A_1327] : memref<200x16384xi32, #tpu.memory_space<hbm>> -> memref<1x16384xi32, #tpu.memory_space<hbm>>
        %dma_wait3A_1329 = tpu.memref_squeeze %dma_wait3A_1328 : memref<1x16384xi32, #tpu.memory_space<hbm>> -> memref<16384xi32, #tpu.memory_space<hbm>>
        %dma_wait3A_1330 = tpu.memref_slice %dma_wait3A_1329[%mul3A_1314] : memref<16384xi32, #tpu.memory_space<hbm>> -> memref<128xi32, #tpu.memory_space<hbm>>
        tpu.wait_dma2 semaphore(%dma_wait3A_1323 : memref<!tpu.dma_semaphore, #tpu.memory_space<semaphore_mem>>) src(%dma_wait3A_1330 : memref<128xi32, #tpu.memory_space<hbm>>) dst(%dma_wait3A_1326 : memref<128xi32, #tpu.memory_space<vmem>>)
        %dma_start3A_1331 = arith.constant 0 : i32
        %dma_start3A_1332 = arith.constant 0 : i32
        %dma_start3A_1333 = tpu.memref_slice %arg6[%rem3A_1156, %dma_start3A_1331, %dma_start3A_1332] : memref<6x128x64xf32, #tpu.memory_space<vmem>> -> memref<1x128x64xf32, #tpu.memory_space<vmem>>
        %dma_start3A_1334 = tpu.memref_squeeze %dma_start3A_1333 : memref<1x128x64xf32, #tpu.memory_space<vmem>> -> memref<128x64xf32, #tpu.memory_space<vmem>>
        %dma_start3A_1335 = arith.constant 0 : i32
        %dma_start3A_1336 = tpu.memref_slice %arg5[%rem3A_1156, %dma_start3A_1335] : memref<6x128xi32, #tpu.memory_space<vmem>> -> memref<1x128xi32, #tpu.memory_space<vmem>>
        %dma_start3A_1337 = tpu.memref_squeeze %dma_start3A_1336 : memref<1x128xi32, #tpu.memory_space<vmem>> -> memref<128xi32, #tpu.memory_space<vmem>>
        %dma_start3A_1338 = arith.constant 0 : i32
        %dma_start3A_1339 = arith.constant 0 : i32
        %dma_start3A_1340 = tpu.memref_slice %arg3[%dma_start3A_1338, %dma_start3A_1339] : memref<1000000x64xf32, #tpu.memory_space<hbm>> -> memref<1000000x64xf32, #tpu.memory_space<hbm>>
        %dma_start3A_1341 = tpu.memref_slice %arg9[%rem3A_1156] : memref<6x!tpu.dma_semaphore, #tpu.memory_space<semaphore_mem>> -> memref<1x!tpu.dma_semaphore, #tpu.memory_space<semaphore_mem>>
        %dma_start3A_1342 = tpu.memref_squeeze %dma_start3A_1341 : memref<1x!tpu.dma_semaphore, #tpu.memory_space<semaphore_mem>> -> memref<!tpu.dma_semaphore, #tpu.memory_space<semaphore_mem>>
        tpu.enqueue_indirect_dma source(%dma_start3A_1340 : memref<1000000x64xf32, #tpu.memory_space<hbm>>) target(%dma_start3A_1334 : memref<128x64xf32, #tpu.memory_space<vmem>>) offsets(%dma_start3A_1337 : memref<128xi32, #tpu.memory_space<vmem>>) semaphore(%dma_start3A_1342 : memref<!tpu.dma_semaphore, #tpu.memory_space<semaphore_mem>>)
      } else {
      }
      %lt3A_1164 = arith.constant 796 : i32
      %lt3A_1165 = arith.cmpi slt, %scan3A_1150, %lt3A_1164 : i32
      %convert_element_type3A_1166 = arith.extui %lt3A_1165 : i1 to i32
      %cond3A_1167 = arith.constant 0 : i32
      %cond3A_1168 = arith.cmpi ne, %convert_element_type3A_1166, %cond3A_1167 : i32
      scf.if %cond3A_1168 {
        %add3A_1270 = arith.constant 4 : i32
        %add3A_1271 = arith.addi %scan3A_1150, %add3A_1270 : i32
        %add3A_1272 = arith.addi %mul3A_2, %add3A_1271 : i32
        %jit3A_1273 = arith.constant 128 : i32
        %div3A_1274 = arith.divsi %add3A_1272, %jit3A_1273 : i32
        %sign3A_1275 = arith.constant 0 : i32
        %sign3A_1276 = arith.cmpi sgt, %add3A_1272, %sign3A_1275 : i32
        %sign3A_1277 = arith.extui %sign3A_1276 : i1 to i32
        %sign3A_1278 = arith.constant 0 : i32
        %sign3A_1279 = arith.cmpi slt, %add3A_1272, %sign3A_1278 : i32
        %sign3A_1280 = arith.extui %sign3A_1279 : i1 to i32
        %sign3A_1281 = arith.subi %sign3A_1277, %sign3A_1280 : i32
        %sign3A_1282 = arith.constant 0 : i32
        %sign3A_1283 = arith.cmpi sgt, %jit3A_1273, %sign3A_1282 : i32
        %sign3A_1284 = arith.extui %sign3A_1283 : i1 to i32
        %sign3A_1285 = arith.constant 0 : i32
        %sign3A_1286 = arith.cmpi slt, %jit3A_1273, %sign3A_1285 : i32
        %sign3A_1287 = arith.extui %sign3A_1286 : i1 to i32
        %sign3A_1288 = arith.subi %sign3A_1284, %sign3A_1287 : i32
        %ne3A_1289 = arith.cmpi ne, %sign3A_1281, %sign3A_1288 : i32
        %rem3A_1290 = arith.remsi %add3A_1272, %jit3A_1273 : i32
        %ne3A_1291 = arith.constant 0 : i32
        %ne3A_1292 = arith.cmpi ne, %rem3A_1290, %ne3A_1291 : i32
        %and3A_1293 = arith.andi %ne3A_1289, %ne3A_1292 : i1
        %sub3A_1294 = arith.constant 1 : i32
        %sub3A_1295 = arith.subi %div3A_1274, %sub3A_1294 : i32
        %select_n3A_1296 = arith.select %and3A_1293, %sub3A_1295, %div3A_1274 : i32
        %jit3A_1297 = arith.constant 128 : i32
        %eq3A_1298 = arith.constant 0 : i32
        %eq3A_1299 = arith.cmpi eq, %jit3A_1297, %eq3A_1298 : i32
        %jit3A_1300 = arith.constant 1 : i32
        %select_n3A_1301 = arith.select %eq3A_1299, %jit3A_1300, %jit3A_1297 : i32
        %rem3A_1302 = arith.remsi %add3A_1272, %select_n3A_1301 : i32
        %ne3A_1303 = arith.constant 0 : i32
        %ne3A_1304 = arith.cmpi ne, %rem3A_1302, %ne3A_1303 : i32
        %lt3A_1305 = arith.constant 0 : i32
        %lt3A_1306 = arith.cmpi slt, %rem3A_1302, %lt3A_1305 : i32
        %lt3A_1307 = arith.constant 0 : i32
        %lt3A_1308 = arith.cmpi slt, %select_n3A_1301, %lt3A_1307 : i32
        %ne3A_1309 = arith.xori %lt3A_1306, %lt3A_1308 : i1
        %and3A_1310 = arith.andi %ne3A_1309, %ne3A_1304 : i1
        %add3A_1311 = arith.addi %rem3A_1302, %select_n3A_1301 : i32
        %select_n3A_1312 = arith.select %and3A_1310, %add3A_1311, %rem3A_1302 : i32
        %mul3A_1313 = arith.constant 128 : i32
        %mul3A_1314 = arith.muli %select_n3A_1312, %mul3A_1313 : i32
        %dma_start3A_1315 = arith.constant 0 : i32
        %dma_start3A_1316 = tpu.memref_slice %arg5[%rem3A_1160, %dma_start3A_1315] : memref<6x128xi32, #tpu.memory_space<vmem>> -> memref<1x128xi32, #tpu.memory_space<vmem>>
        %dma_start3A_1317 = tpu.memref_squeeze %dma_start3A_1316 : memref<1x128xi32, #tpu.memory_space<vmem>> -> memref<128xi32, #tpu.memory_space<vmem>>
        %dma_start3A_1318 = arith.constant 0 : i32
        %dma_start3A_1319 = tpu.memref_slice %arg2[%select_n3A_1296, %dma_start3A_1318] : memref<200x16384xi32, #tpu.memory_space<hbm>> -> memref<1x16384xi32, #tpu.memory_space<hbm>>
        %dma_start3A_1320 = tpu.memref_squeeze %dma_start3A_1319 : memref<1x16384xi32, #tpu.memory_space<hbm>> -> memref<16384xi32, #tpu.memory_space<hbm>>
        %dma_start3A_1321 = tpu.memref_slice %dma_start3A_1320[%mul3A_1314] : memref<16384xi32, #tpu.memory_space<hbm>> -> memref<128xi32, #tpu.memory_space<hbm>>
        %dma_start3A_1322 = tpu.memref_slice %arg8[%rem3A_1160] : memref<6x!tpu.dma_semaphore, #tpu.memory_space<semaphore_mem>> -> memref<1x!tpu.dma_semaphore, #tpu.memory_space<semaphore_mem>>
        %dma_start3A_1323 = tpu.memref_squeeze %dma_start3A_1322 : memref<1x!tpu.dma_semaphore, #tpu.memory_space<semaphore_mem>> -> memref<!tpu.dma_semaphore, #tpu.memory_space<semaphore_mem>>
        %dma_start3A_1324 = arith.constant 0 : i32
        %dma_start3A_1325 = tpu.memref_slice %arg5[%rem3A_1160, %dma_start3A_1324] : memref<6x128xi32, #tpu.memory_space<vmem>> -> memref<1x128xi32, #tpu.memory_space<vmem>>
        %dma_start3A_1326 = tpu.memref_squeeze %dma_start3A_1325 : memref<1x128xi32, #tpu.memory_space<vmem>> -> memref<128xi32, #tpu.memory_space<vmem>>
        %dma_start3A_1327 = arith.constant 0 : i32
        %dma_start3A_1328 = tpu.memref_slice %arg2[%select_n3A_1296, %dma_start3A_1327] : memref<200x16384xi32, #tpu.memory_space<hbm>> -> memref<1x16384xi32, #tpu.memory_space<hbm>>
        %dma_start3A_1329 = tpu.memref_squeeze %dma_start3A_1328 : memref<1x16384xi32, #tpu.memory_space<hbm>> -> memref<16384xi32, #tpu.memory_space<hbm>>
        %dma_start3A_1330 = tpu.memref_slice %dma_start3A_1329[%mul3A_1314] : memref<16384xi32, #tpu.memory_space<hbm>> -> memref<128xi32, #tpu.memory_space<hbm>>
        tpu.enqueue_dma source(%dma_start3A_1330 : memref<128xi32, #tpu.memory_space<hbm>>) target(%dma_start3A_1326 : memref<128xi32, #tpu.memory_space<vmem>>) target_semaphore(%dma_start3A_1323 : memref<!tpu.dma_semaphore, #tpu.memory_space<semaphore_mem>>)
      } else {
      }
      %dma_wait3A_1169 = arith.constant 0 : i32
      %dma_wait3A_1170 = arith.constant 0 : i32
      %dma_wait3A_1171 = tpu.memref_slice %arg6[%rem3A_1152, %dma_wait3A_1169, %dma_wait3A_1170] : memref<6x128x64xf32, #tpu.memory_space<vmem>> -> memref<1x128x64xf32, #tpu.memory_space<vmem>>
      %dma_wait3A_1172 = tpu.memref_squeeze %dma_wait3A_1171 : memref<1x128x64xf32, #tpu.memory_space<vmem>> -> memref<128x64xf32, #tpu.memory_space<vmem>>
      %dma_wait3A_1173 = arith.constant 0 : i32
      %dma_wait3A_1174 = tpu.memref_slice %arg5[%rem3A_1152, %dma_wait3A_1173] : memref<6x128xi32, #tpu.memory_space<vmem>> -> memref<1x128xi32, #tpu.memory_space<vmem>>
      %dma_wait3A_1175 = tpu.memref_squeeze %dma_wait3A_1174 : memref<1x128xi32, #tpu.memory_space<vmem>> -> memref<128xi32, #tpu.memory_space<vmem>>
      %dma_wait3A_1176 = arith.constant 0 : i32
      %dma_wait3A_1177 = arith.constant 0 : i32
      %dma_wait3A_1178 = tpu.memref_slice %arg3[%dma_wait3A_1176, %dma_wait3A_1177] : memref<1000000x64xf32, #tpu.memory_space<hbm>> -> memref<1000000x64xf32, #tpu.memory_space<hbm>>
      %dma_wait3A_1179 = tpu.memref_slice %arg9[%rem3A_1152] : memref<6x!tpu.dma_semaphore, #tpu.memory_space<semaphore_mem>> -> memref<1x!tpu.dma_semaphore, #tpu.memory_space<semaphore_mem>>
      %dma_wait3A_1180 = tpu.memref_squeeze %dma_wait3A_1179 : memref<1x!tpu.dma_semaphore, #tpu.memory_space<semaphore_mem>> -> memref<!tpu.dma_semaphore, #tpu.memory_space<semaphore_mem>>
      tpu.wait_indirect_dma semaphore(%dma_wait3A_1180 : memref<!tpu.dma_semaphore, #tpu.memory_space<semaphore_mem>>) src(%dma_wait3A_1178 : memref<1000000x64xf32, #tpu.memory_space<hbm>>) dst(%dma_wait3A_1172 : memref<128x64xf32, #tpu.memory_space<vmem>>)
      %ge3A = arith.constant 6 : i32
      %ge3A_1181 = arith.cmpi sge, %scan3A_1150, %ge3A : i32
      %convert_element_type3A_1182 = arith.extui %ge3A_1181 : i1 to i32
      %cond3A_1183 = arith.constant 0 : i32
      %cond3A_1184 = arith.cmpi ne, %convert_element_type3A_1182, %cond3A_1183 : i32
      scf.if %cond3A_1184 {
        %sub3A_1270 = arith.constant 6 : i32
        %sub3A_1271 = arith.subi %scan3A_1150, %sub3A_1270 : i32
        %add3A_1272 = arith.addi %mul3A_2, %sub3A_1271 : i32
        %jit3A_1273 = arith.constant 128 : i32
        %div3A_1274 = arith.divsi %add3A_1272, %jit3A_1273 : i32
        %sign3A_1275 = arith.constant 0 : i32
        %sign3A_1276 = arith.cmpi sgt, %add3A_1272, %sign3A_1275 : i32
        %sign3A_1277 = arith.extui %sign3A_1276 : i1 to i32
        %sign3A_1278 = arith.constant 0 : i32
        %sign3A_1279 = arith.cmpi slt, %add3A_1272, %sign3A_1278 : i32
        %sign3A_1280 = arith.extui %sign3A_1279 : i1 to i32
        %sign3A_1281 = arith.subi %sign3A_1277, %sign3A_1280 : i32
        %sign3A_1282 = arith.constant 0 : i32
        %sign3A_1283 = arith.cmpi sgt, %jit3A_1273, %sign3A_1282 : i32
        %sign3A_1284 = arith.extui %sign3A_1283 : i1 to i32
        %sign3A_1285 = arith.constant 0 : i32
        %sign3A_1286 = arith.cmpi slt, %jit3A_1273, %sign3A_1285 : i32
        %sign3A_1287 = arith.extui %sign3A_1286 : i1 to i32
        %sign3A_1288 = arith.subi %sign3A_1284, %sign3A_1287 : i32
        %ne3A_1289 = arith.cmpi ne, %sign3A_1281, %sign3A_1288 : i32
        %rem3A_1290 = arith.remsi %add3A_1272, %jit3A_1273 : i32
        %ne3A_1291 = arith.constant 0 : i32
        %ne3A_1292 = arith.cmpi ne, %rem3A_1290, %ne3A_1291 : i32
        %and3A_1293 = arith.andi %ne3A_1289, %ne3A_1292 : i1
        %sub3A_1294 = arith.constant 1 : i32
        %sub3A_1295 = arith.subi %div3A_1274, %sub3A_1294 : i32
        %select_n3A_1296 = arith.select %and3A_1293, %sub3A_1295, %div3A_1274 : i32
        %jit3A_1297 = arith.constant 128 : i32
        %eq3A_1298 = arith.constant 0 : i32
        %eq3A_1299 = arith.cmpi eq, %jit3A_1297, %eq3A_1298 : i32
        %jit3A_1300 = arith.constant 1 : i32
        %select_n3A_1301 = arith.select %eq3A_1299, %jit3A_1300, %jit3A_1297 : i32
        %rem3A_1302 = arith.remsi %add3A_1272, %select_n3A_1301 : i32
        %ne3A_1303 = arith.constant 0 : i32
        %ne3A_1304 = arith.cmpi ne, %rem3A_1302, %ne3A_1303 : i32
        %lt3A_1305 = arith.constant 0 : i32
        %lt3A_1306 = arith.cmpi slt, %rem3A_1302, %lt3A_1305 : i32
        %lt3A_1307 = arith.constant 0 : i32
        %lt3A_1308 = arith.cmpi slt, %select_n3A_1301, %lt3A_1307 : i32
        %ne3A_1309 = arith.xori %lt3A_1306, %lt3A_1308 : i1
        %and3A_1310 = arith.andi %ne3A_1309, %ne3A_1304 : i1
        %add3A_1311 = arith.addi %rem3A_1302, %select_n3A_1301 : i32
        %select_n3A_1312 = arith.select %and3A_1310, %add3A_1311, %rem3A_1302 : i32
        %dma_wait3A_1313 = arith.constant 0 : i32
        %dma_wait3A_1314 = arith.constant 0 : i32
        %dma_wait3A_1315 = arith.constant 0 : i32
        %dma_wait3A_1316 = tpu.memref_slice %arg7[%rem3A_1152, %dma_wait3A_1313, %dma_wait3A_1314, %dma_wait3A_1315] : memref<6x8x8x136xf32, #tpu.memory_space<vmem>> -> memref<1x8x8x136xf32, #tpu.memory_space<vmem>>
        %dma_wait3A_1317 = tpu.memref_squeeze %dma_wait3A_1316 : memref<1x8x8x136xf32, #tpu.memory_space<vmem>> -> memref<8x8x136xf32, #tpu.memory_space<vmem>>
        %dma_wait3A_1318 = arith.constant 0 : i32
        %dma_wait3A_1319 = arith.constant 0 : i32
        %dma_wait3A_1320 = arith.constant 0 : i32
        %dma_wait3A_1321 = tpu.memref_slice %dma_wait3A_1317[%dma_wait3A_1318, %dma_wait3A_1319, %dma_wait3A_1320] : memref<8x8x136xf32, #tpu.memory_space<vmem>> -> memref<8x8x128xf32, #tpu.memory_space<vmem>>
        %dma_wait3A_1322 = arith.constant 0 : i32
        %dma_wait3A_1323 = arith.constant 0 : i32
        %dma_wait3A_1324 = arith.constant 0 : i32
        %dma_wait3A_1325 = arith.constant 0 : i32
        %dma_wait3A_1326 = tpu.memref_slice %arg4[%select_n3A_1296, %dma_wait3A_1322, %dma_wait3A_1323, %dma_wait3A_1324, %dma_wait3A_1325] : memref<200x8x128x8x128xf32, #tpu.memory_space<hbm>> -> memref<1x8x128x8x128xf32, #tpu.memory_space<hbm>>
        %dma_wait3A_1327 = tpu.memref_squeeze %dma_wait3A_1326 : memref<1x8x128x8x128xf32, #tpu.memory_space<hbm>> -> memref<8x128x8x128xf32, #tpu.memory_space<hbm>>
        %dma_wait3A_1328 = arith.constant 0 : i32
        %dma_wait3A_1329 = arith.constant 0 : i32
        %dma_wait3A_1330 = arith.constant 0 : i32
        %dma_wait3A_1331 = tpu.memref_slice %dma_wait3A_1327[%dma_wait3A_1328, %select_n3A_1312, %dma_wait3A_1329, %dma_wait3A_1330] : memref<8x128x8x128xf32, #tpu.memory_space<hbm>> -> memref<8x1x8x128xf32, #tpu.memory_space<hbm>>
        %dma_wait3A_1332 = tpu.memref_squeeze %dma_wait3A_1331 : memref<8x1x8x128xf32, #tpu.memory_space<hbm>> -> memref<8x8x128xf32, #tpu.memory_space<hbm>>
        %dma_wait3A_1333 = tpu.memref_slice %arg10[%rem3A_1152] : memref<6x!tpu.dma_semaphore, #tpu.memory_space<semaphore_mem>> -> memref<1x!tpu.dma_semaphore, #tpu.memory_space<semaphore_mem>>
        %dma_wait3A_1334 = tpu.memref_squeeze %dma_wait3A_1333 : memref<1x!tpu.dma_semaphore, #tpu.memory_space<semaphore_mem>> -> memref<!tpu.dma_semaphore, #tpu.memory_space<semaphore_mem>>
        %dma_wait3A_1335 = arith.constant 0 : i32
        %dma_wait3A_1336 = arith.constant 0 : i32
        %dma_wait3A_1337 = arith.constant 0 : i32
        %dma_wait3A_1338 = arith.constant 0 : i32
        %dma_wait3A_1339 = tpu.memref_slice %arg4[%select_n3A_1296, %dma_wait3A_1335, %dma_wait3A_1336, %dma_wait3A_1337, %dma_wait3A_1338] : memref<200x8x128x8x128xf32, #tpu.memory_space<hbm>> -> memref<1x8x128x8x128xf32, #tpu.memory_space<hbm>>
        %dma_wait3A_1340 = tpu.memref_squeeze %dma_wait3A_1339 : memref<1x8x128x8x128xf32, #tpu.memory_space<hbm>> -> memref<8x128x8x128xf32, #tpu.memory_space<hbm>>
        %dma_wait3A_1341 = arith.constant 0 : i32
        %dma_wait3A_1342 = arith.constant 0 : i32
        %dma_wait3A_1343 = arith.constant 0 : i32
        %dma_wait3A_1344 = tpu.memref_slice %dma_wait3A_1340[%dma_wait3A_1341, %select_n3A_1312, %dma_wait3A_1342, %dma_wait3A_1343] : memref<8x128x8x128xf32, #tpu.memory_space<hbm>> -> memref<8x1x8x128xf32, #tpu.memory_space<hbm>>
        %dma_wait3A_1345 = tpu.memref_squeeze %dma_wait3A_1344 : memref<8x1x8x128xf32, #tpu.memory_space<hbm>> -> memref<8x8x128xf32, #tpu.memory_space<hbm>>
        %dma_wait3A_1346 = arith.constant 0 : i32
        %dma_wait3A_1347 = arith.constant 0 : i32
        %dma_wait3A_1348 = arith.constant 0 : i32
        %dma_wait3A_1349 = tpu.memref_slice %arg7[%rem3A_1152, %dma_wait3A_1346, %dma_wait3A_1347, %dma_wait3A_1348] : memref<6x8x8x136xf32, #tpu.memory_space<vmem>> -> memref<1x8x8x136xf32, #tpu.memory_space<vmem>>
        %dma_wait3A_1350 = tpu.memref_squeeze %dma_wait3A_1349 : memref<1x8x8x136xf32, #tpu.memory_space<vmem>> -> memref<8x8x136xf32, #tpu.memory_space<vmem>>
        %dma_wait3A_1351 = arith.constant 0 : i32
        %dma_wait3A_1352 = arith.constant 0 : i32
        %dma_wait3A_1353 = arith.constant 0 : i32
        %dma_wait3A_1354 = tpu.memref_slice %dma_wait3A_1350[%dma_wait3A_1351, %dma_wait3A_1352, %dma_wait3A_1353] : memref<8x8x136xf32, #tpu.memory_space<vmem>> -> memref<8x8x128xf32, #tpu.memory_space<vmem>>
        tpu.wait_dma2 semaphore(%dma_wait3A_1334 : memref<!tpu.dma_semaphore, #tpu.memory_space<semaphore_mem>>) src(%dma_wait3A_1354 : memref<8x8x128xf32, #tpu.memory_space<vmem>>) dst(%dma_wait3A_1345 : memref<8x8x128xf32, #tpu.memory_space<hbm>>)
      } else {
      }
      %parallel_loop3A = arith.constant 0 : i32
      %parallel_loop3A_1185 = arith.constant 128 : i32
      %parallel_loop3A_1186 = arith.constant 1 : i32
      scf.for %parallel_loop3A_1270 = %parallel_loop3A to %parallel_loop3A_1185 step %parallel_loop3A_1186  : i32 {
        %parallel_loop3A_1271 = vector.broadcast %parallel_loop3A_1270 : i32 to vector<16xi32>
        %parallel_loop3A_1272 = arith.index_cast %rem3A_1152 : i32 to index
        %parallel_loop3A_1273 = arith.index_cast %parallel_loop3A_1270 : i32 to index
        %parallel_loop3A_1274 = arith.constant 0 : index
        %parallel_loop3A_1275 = tpu.vector_load %arg6[%parallel_loop3A_1272, %parallel_loop3A_1273, %parallel_loop3A_1274] {strides = array<i32>} : memref<6x128x64xf32, #tpu.memory_space<vmem>>, vector<16xf32>,
        %parallel_loop3A_1276 = arith.constant 0 : i32
        %parallel_loop3A_1277 = arith.constant 0 : i32
        %parallel_loop3A_1278 = arith.constant 0 : i32
        %parallel_loop3A_1279 = tpu.memref_slice %arg7[%rem3A_1152, %parallel_loop3A_1276, %parallel_loop3A_1277, %parallel_loop3A_1278] : memref<6x8x8x136xf32, #tpu.memory_space<vmem>> -> memref<1x8x8x136xf32, #tpu.memory_space<vmem>>
        %parallel_loop3A_1280 = tpu.memref_squeeze %parallel_loop3A_1279 : memref<1x8x8x136xf32, #tpu.memory_space<vmem>> -> memref<8x8x136xf32, #tpu.memory_space<vmem>>
        tpu.vector_store_idx %parallel_loop3A_1280[%select_n3A, %select_n3A_153, %parallel_loop3A_1271], %parallel_loop3A_1275 : memref<8x8x136xf32, #tpu.memory_space<vmem>>[vector<16xi32>, vector<16xi32>, vector<16xi32>], vector<16xf32>,
        %parallel_loop3A_1281 = arith.index_cast %rem3A_1152 : i32 to index
        %parallel_loop3A_1282 = arith.index_cast %parallel_loop3A_1270 : i32 to index
        %parallel_loop3A_1283 = arith.constant 16 : index
        %parallel_loop3A_1284 = tpu.vector_load %arg6[%parallel_loop3A_1281, %parallel_loop3A_1282, %parallel_loop3A_1283] {strides = array<i32>} : memref<6x128x64xf32, #tpu.memory_space<vmem>>, vector<16xf32>,
        %parallel_loop3A_1285 = arith.constant 0 : i32
        %parallel_loop3A_1286 = arith.constant 0 : i32
        %parallel_loop3A_1287 = arith.constant 0 : i32
        %parallel_loop3A_1288 = tpu.memref_slice %arg7[%rem3A_1152, %parallel_loop3A_1285, %parallel_loop3A_1286, %parallel_loop3A_1287] : memref<6x8x8x136xf32, #tpu.memory_space<vmem>> -> memref<1x8x8x136xf32, #tpu.memory_space<vmem>>
        %parallel_loop3A_1289 = tpu.memref_squeeze %parallel_loop3A_1288 : memref<1x8x8x136xf32, #tpu.memory_space<vmem>> -> memref<8x8x136xf32, #tpu.memory_space<vmem>>
        tpu.vector_store_idx %parallel_loop3A_1289[%select_n3A_62, %select_n3A_178, %parallel_loop3A_1271], %parallel_loop3A_1284 : memref<8x8x136xf32, #tpu.memory_space<vmem>>[vector<16xi32>, vector<16xi32>, vector<16xi32>], vector<16xf32>,
        %parallel_loop3A_1290 = arith.index_cast %rem3A_1152 : i32 to index
        %parallel_loop3A_1291 = arith.index_cast %parallel_loop3A_1270 : i32 to index
        %parallel_loop3A_1292 = arith.constant 32 : index
        %parallel_loop3A_1293 = tpu.vector_load %arg6[%parallel_loop3A_1290, %parallel_loop3A_1291, %parallel_loop3A_1292] {strides = array<i32>} : memref<6x128x64xf32, #tpu.memory_space<vmem>>, vector<16xf32>,
        %parallel_loop3A_1294 = arith.constant 0 : i32
        %parallel_loop3A_1295 = arith.constant 0 : i32
        %parallel_loop3A_1296 = arith.constant 0 : i32
        %parallel_loop3A_1297 = tpu.memref_slice %arg7[%rem3A_1152, %parallel_loop3A_1294, %parallel_loop3A_1295, %parallel_loop3A_1296] : memref<6x8x8x136xf32, #tpu.memory_space<vmem>> -> memref<1x8x8x136xf32, #tpu.memory_space<vmem>>
        %parallel_loop3A_1298 = tpu.memref_squeeze %parallel_loop3A_1297 : memref<1x8x8x136xf32, #tpu.memory_space<vmem>> -> memref<8x8x136xf32, #tpu.memory_space<vmem>>
        tpu.vector_store_idx %parallel_loop3A_1298[%select_n3A_96, %select_n3A_203, %parallel_loop3A_1271], %parallel_loop3A_1293 : memref<8x8x136xf32, #tpu.memory_space<vmem>>[vector<16xi32>, vector<16xi32>, vector<16xi32>], vector<16xf32>,
        %parallel_loop3A_1299 = arith.index_cast %rem3A_1152 : i32 to index
        %parallel_loop3A_1300 = arith.index_cast %parallel_loop3A_1270 : i32 to index
        %parallel_loop3A_1301 = arith.constant 48 : index
        %parallel_loop3A_1302 = tpu.vector_load %arg6[%parallel_loop3A_1299, %parallel_loop3A_1300, %parallel_loop3A_1301] {strides = array<i32>} : memref<6x128x64xf32, #tpu.memory_space<vmem>>, vector<16xf32>,
        %parallel_loop3A_1303 = arith.constant 0 : i32
        %parallel_loop3A_1304 = arith.constant 0 : i32
        %parallel_loop3A_1305 = arith.constant 0 : i32
        %parallel_loop3A_1306 = tpu.memref_slice %arg7[%rem3A_1152, %parallel_loop3A_1303, %parallel_loop3A_1304, %parallel_loop3A_1305] : memref<6x8x8x136xf32, #tpu.memory_space<vmem>> -> memref<1x8x8x136xf32, #tpu.memory_space<vmem>>
        %parallel_loop3A_1307 = tpu.memref_squeeze %parallel_loop3A_1306 : memref<1x8x8x136xf32, #tpu.memory_space<vmem>> -> memref<8x8x136xf32, #tpu.memory_space<vmem>>
        tpu.vector_store_idx %parallel_loop3A_1307[%select_n3A_130, %select_n3A_228, %parallel_loop3A_1271], %parallel_loop3A_1302 : memref<8x8x136xf32, #tpu.memory_space<vmem>>[vector<16xi32>, vector<16xi32>, vector<16xi32>], vector<16xf32>,
      } {sc.loop_unroll_factor = 2 : i64, sc.parallel_access}
      %add3A_1187 = arith.addi %mul3A_2, %scan3A_1150 : i32
      %jit3A_1188 = arith.constant 128 : i32
      %div3A_1189 = arith.divsi %add3A_1187, %jit3A_1188 : i32
      %sign3A_1190 = arith.constant 0 : i32
      %sign3A_1191 = arith.cmpi sgt, %add3A_1187, %sign3A_1190 : i32
      %sign3A_1192 = arith.extui %sign3A_1191 : i1 to i32
      %sign3A_1193 = arith.constant 0 : i32
      %sign3A_1194 = arith.cmpi slt, %add3A_1187, %sign3A_1193 : i32
      %sign3A_1195 = arith.extui %sign3A_1194 : i1 to i32
      %sign3A_1196 = arith.subi %sign3A_1192, %sign3A_1195 : i32
      %sign3A_1197 = arith.constant 0 : i32
      %sign3A_1198 = arith.cmpi sgt, %jit3A_1188, %sign3A_1197 : i32
      %sign3A_1199 = arith.extui %sign3A_1198 : i1 to i32
      %sign3A_1200 = arith.constant 0 : i32
      %sign3A_1201 = arith.cmpi slt, %jit3A_1188, %sign3A_1200 : i32
      %sign3A_1202 = arith.extui %sign3A_1201 : i1 to i32
      %sign3A_1203 = arith.subi %sign3A_1199, %sign3A_1202 : i32
      %ne3A_1204 = arith.cmpi ne, %sign3A_1196, %sign3A_1203 : i32
      %rem3A_1205 = arith.remsi %add3A_1187, %jit3A_1188 : i32
      %ne3A_1206 = arith.constant 0 : i32
      %ne3A_1207 = arith.cmpi ne, %rem3A_1205, %ne3A_1206 : i32
      %and3A_1208 = arith.andi %ne3A_1204, %ne3A_1207 : i1
      %sub3A_1209 = arith.constant 1 : i32
      %sub3A_1210 = arith.subi %div3A_1189, %sub3A_1209 : i32
      %select_n3A_1211 = arith.select %and3A_1208, %sub3A_1210, %div3A_1189 : i32
      %jit3A_1212 = arith.constant 128 : i32
      %eq3A_1213 = arith.constant 0 : i32
      %eq3A_1214 = arith.cmpi eq, %jit3A_1212, %eq3A_1213 : i32
      %jit3A_1215 = arith.constant 1 : i32
      %select_n3A_1216 = arith.select %eq3A_1214, %jit3A_1215, %jit3A_1212 : i32
      %rem3A_1217 = arith.remsi %add3A_1187, %select_n3A_1216 : i32
      %ne3A_1218 = arith.constant 0 : i32
      %ne3A_1219 = arith.cmpi ne, %rem3A_1217, %ne3A_1218 : i32
      %lt3A_1220 = arith.constant 0 : i32
      %lt3A_1221 = arith.cmpi slt, %rem3A_1217, %lt3A_1220 : i32
      %lt3A_1222 = arith.constant 0 : i32
      %lt3A_1223 = arith.cmpi slt, %select_n3A_1216, %lt3A_1222 : i32
      %ne3A_1224 = arith.xori %lt3A_1221, %lt3A_1223 : i1
      %and3A_1225 = arith.andi %ne3A_1224, %ne3A_1219 : i1
      %add3A_1226 = arith.addi %rem3A_1217, %select_n3A_1216 : i32
      %select_n3A_1227 = arith.select %and3A_1225, %add3A_1226, %rem3A_1217 : i32
      %dma_start3A_1228 = arith.constant 0 : i32
      %dma_start3A_1229 = arith.constant 0 : i32
      %dma_start3A_1230 = arith.constant 0 : i32
      %dma_start3A_1231 = tpu.memref_slice %arg7[%rem3A_1152, %dma_start3A_1228, %dma_start3A_1229, %dma_start3A_1230] : memref<6x8x8x136xf32, #tpu.memory_space<vmem>> -> memref<1x8x8x136xf32, #tpu.memory_space<vmem>>
      %dma_start3A_1232 = tpu.memref_squeeze %dma_start3A_1231 : memref<1x8x8x136xf32, #tpu.memory_space<vmem>> -> memref<8x8x136xf32, #tpu.memory_space<vmem>>
      %dma_start3A_1233 = arith.constant 0 : i32
      %dma_start3A_1234 = arith.constant 0 : i32
      %dma_start3A_1235 = arith.constant 0 : i32
      %dma_start3A_1236 = tpu.memref_slice %dma_start3A_1232[%dma_start3A_1233, %dma_start3A_1234, %dma_start3A_1235] : memref<8x8x136xf32, #tpu.memory_space<vmem>> -> memref<8x8x128xf32, #tpu.memory_space<vmem>>
      %dma_start3A_1237 = arith.constant 0 : i32
      %dma_start3A_1238 = arith.constant 0 : i32
      %dma_start3A_1239 = arith.constant 0 : i32
      %dma_start3A_1240 = arith.constant 0 : i32
      %dma_start3A_1241 = tpu.memref_slice %arg4[%select_n3A_1211, %dma_start3A_1237, %dma_start3A_1238, %dma_start3A_1239, %dma_start3A_1240] : memref<200x8x128x8x128xf32, #tpu.memory_space<hbm>> -> memref<1x8x128x8x128xf32, #tpu.memory_space<hbm>>
      %dma_start3A_1242 = tpu.memref_squeeze %dma_start3A_1241 : memref<1x8x128x8x128xf32, #tpu.memory_space<hbm>> -> memref<8x128x8x128xf32, #tpu.memory_space<hbm>>
      %dma_start3A_1243 = arith.constant 0 : i32
      %dma_start3A_1244 = arith.constant 0 : i32
      %dma_start3A_1245 = arith.constant 0 : i32
      %dma_start3A_1246 = tpu.memref_slice %dma_start3A_1242[%dma_start3A_1243, %select_n3A_1227, %dma_start3A_1244, %dma_start3A_1245] : memref<8x128x8x128xf32, #tpu.memory_space<hbm>> -> memref<8x1x8x128xf32, #tpu.memory_space<hbm>>
      %dma_start3A_1247 = tpu.memref_squeeze %dma_start3A_1246 : memref<8x1x8x128xf32, #tpu.memory_space<hbm>> -> memref<8x8x128xf32, #tpu.memory_space<hbm>>
      %dma_start3A_1248 = tpu.memref_slice %arg10[%rem3A_1152] : memref<6x!tpu.dma_semaphore, #tpu.memory_space<semaphore_mem>> -> memref<1x!tpu.dma_semaphore, #tpu.memory_space<semaphore_mem>>
      %dma_start3A_1249 = tpu.memref_squeeze %dma_start3A_1248 : memref<1x!tpu.dma_semaphore, #tpu.memory_space<semaphore_mem>> -> memref<!tpu.dma_semaphore, #tpu.memory_space<semaphore_mem>>
      %dma_start3A_1250 = arith.constant 0 : i32
      %dma_start3A_1251 = arith.constant 0 : i32
      %dma_start3A_1252 = arith.constant 0 : i32
      %dma_start3A_1253 = arith.constant 0 : i32
      %dma_start3A_1254 = tpu.memref_slice %arg4[%select_n3A_1211, %dma_start3A_1250, %dma_start3A_1251, %dma_start3A_1252, %dma_start3A_1253] : memref<200x8x128x8x128xf32, #tpu.memory_space<hbm>> -> memref<1x8x128x8x128xf32, #tpu.memory_space<hbm>>
      %dma_start3A_1255 = tpu.memref_squeeze %dma_start3A_1254 : memref<1x8x128x8x128xf32, #tpu.memory_space<hbm>> -> memref<8x128x8x128xf32, #tpu.memory_space<hbm>>
      %dma_start3A_1256 = arith.constant 0 : i32
      %dma_start3A_1257 = arith.constant 0 : i32
      %dma_start3A_1258 = arith.constant 0 : i32
      %dma_start3A_1259 = tpu.memref_slice %dma_start3A_1255[%dma_start3A_1256, %select_n3A_1227, %dma_start3A_1257, %dma_start3A_1258] : memref<8x128x8x128xf32, #tpu.memory_space<hbm>> -> memref<8x1x8x128xf32, #tpu.memory_space<hbm>>
      %dma_start3A_1260 = tpu.memref_squeeze %dma_start3A_1259 : memref<8x1x8x128xf32, #tpu.memory_space<hbm>> -> memref<8x8x128xf32, #tpu.memory_space<hbm>>
      %dma_start3A_1261 = arith.constant 0 : i32
      %dma_start3A_1262 = arith.constant 0 : i32
      %dma_start3A_1263 = arith.constant 0 : i32
      %dma_start3A_1264 = tpu.memref_slice %arg7[%rem3A_1152, %dma_start3A_1261, %dma_start3A_1262, %dma_start3A_1263] : memref<6x8x8x136xf32, #tpu.memory_space<vmem>> -> memref<1x8x8x136xf32, #tpu.memory_space<vmem>>
      %dma_start3A_1265 = tpu.memref_squeeze %dma_start3A_1264 : memref<1x8x8x136xf32, #tpu.memory_space<vmem>> -> memref<8x8x136xf32, #tpu.memory_space<vmem>>
      %dma_start3A_1266 = arith.constant 0 : i32
      %dma_start3A_1267 = arith.constant 0 : i32
      %dma_start3A_1268 = arith.constant 0 : i32
      %dma_start3A_1269 = tpu.memref_slice %dma_start3A_1265[%dma_start3A_1266, %dma_start3A_1267, %dma_start3A_1268] : memref<8x8x136xf32, #tpu.memory_space<vmem>> -> memref<8x8x128xf32, #tpu.memory_space<vmem>>
      tpu.enqueue_dma source(%dma_start3A_1269 : memref<8x8x128xf32, #tpu.memory_space<vmem>>) target(%dma_start3A_1260 : memref<8x8x128xf32, #tpu.memory_space<hbm>>) target_semaphore(%dma_start3A_1249 : memref<!tpu.dma_semaphore, #tpu.memory_space<semaphore_mem>>)
    }
    %scan3A_633 = arith.constant 800 : i32
    %add3A_634 = arith.constant 794 : i32
    %add3A_635 = arith.addi %mul3A_2, %add3A_634 : i32
    %jit3A_636 = arith.constant 128 : i32
    %div3A_637 = arith.divsi %add3A_635, %jit3A_636 : i32
    %sign3A_638 = arith.constant 0 : i32
    %sign3A_639 = arith.cmpi sgt, %add3A_635, %sign3A_638 : i32
    %sign3A_640 = arith.extui %sign3A_639 : i1 to i32
    %sign3A_641 = arith.constant 0 : i32
    %sign3A_642 = arith.cmpi slt, %add3A_635, %sign3A_641 : i32
    %sign3A_643 = arith.extui %sign3A_642 : i1 to i32
    %sign3A_644 = arith.subi %sign3A_640, %sign3A_643 : i32
    %sign3A_645 = arith.constant 0 : i32
    %sign3A_646 = arith.cmpi sgt, %jit3A_636, %sign3A_645 : i32
    %sign3A_647 = arith.extui %sign3A_646 : i1 to i32
    %sign3A_648 = arith.constant 0 : i32
    %sign3A_649 = arith.cmpi slt, %jit3A_636, %sign3A_648 : i32
    %sign3A_650 = arith.extui %sign3A_649 : i1 to i32
    %sign3A_651 = arith.subi %sign3A_647, %sign3A_650 : i32
    %ne3A_652 = arith.cmpi ne, %sign3A_644, %sign3A_651 : i32
    %rem3A_653 = arith.remsi %add3A_635, %jit3A_636 : i32
    %ne3A_654 = arith.constant 0 : i32
    %ne3A_655 = arith.cmpi ne, %rem3A_653, %ne3A_654 : i32
    %and3A_656 = arith.andi %ne3A_652, %ne3A_655 : i1
    %sub3A_657 = arith.constant 1 : i32
    %sub3A_658 = arith.subi %div3A_637, %sub3A_657 : i32
    %select_n3A_659 = arith.select %and3A_656, %sub3A_658, %div3A_637 : i32
    %jit3A_660 = arith.constant 128 : i32
    %eq3A_661 = arith.constant 0 : i32
    %eq3A_662 = arith.cmpi eq, %jit3A_660, %eq3A_661 : i32
    %jit3A_663 = arith.constant 1 : i32
    %select_n3A_664 = arith.select %eq3A_662, %jit3A_663, %jit3A_660 : i32
    %rem3A_665 = arith.remsi %add3A_635, %select_n3A_664 : i32
    %ne3A_666 = arith.constant 0 : i32
    %ne3A_667 = arith.cmpi ne, %rem3A_665, %ne3A_666 : i32
    %lt3A_668 = arith.constant 0 : i32
    %lt3A_669 = arith.cmpi slt, %rem3A_665, %lt3A_668 : i32
    %lt3A_670 = arith.constant 0 : i32
    %lt3A_671 = arith.cmpi slt, %select_n3A_664, %lt3A_670 : i32
    %ne3A_672 = arith.xori %lt3A_669, %lt3A_671 : i1
    %and3A_673 = arith.andi %ne3A_672, %ne3A_667 : i1
    %add3A_674 = arith.addi %rem3A_665, %select_n3A_664 : i32
    %select_n3A_675 = arith.select %and3A_673, %add3A_674, %rem3A_665 : i32
    %dma_wait3A_676 = arith.constant 2 : i32
    %dma_wait3A_677 = arith.constant 2 : i32
    %dma_wait3A_678 = arith.constant 0 : i32
    %dma_wait3A_679 = arith.constant 0 : i32
    %dma_wait3A_680 = arith.constant 0 : i32
    %dma_wait3A_681 = tpu.memref_slice %arg7[%dma_wait3A_676, %dma_wait3A_678, %dma_wait3A_679, %dma_wait3A_680] : memref<6x8x8x136xf32, #tpu.memory_space<vmem>> -> memref<1x8x8x136xf32, #tpu.memory_space<vmem>>
    %dma_wait3A_682 = tpu.memref_squeeze %dma_wait3A_681 : memref<1x8x8x136xf32, #tpu.memory_space<vmem>> -> memref<8x8x136xf32, #tpu.memory_space<vmem>>
    %dma_wait3A_683 = arith.constant 0 : i32
    %dma_wait3A_684 = arith.constant 0 : i32
    %dma_wait3A_685 = arith.constant 0 : i32
    %dma_wait3A_686 = tpu.memref_slice %dma_wait3A_682[%dma_wait3A_683, %dma_wait3A_684, %dma_wait3A_685] : memref<8x8x136xf32, #tpu.memory_space<vmem>> -> memref<8x8x128xf32, #tpu.memory_space<vmem>>
    %dma_wait3A_687 = arith.constant 0 : i32
    %dma_wait3A_688 = arith.constant 0 : i32
    %dma_wait3A_689 = arith.constant 0 : i32
    %dma_wait3A_690 = arith.constant 0 : i32
    %dma_wait3A_691 = tpu.memref_slice %arg4[%select_n3A_659, %dma_wait3A_687, %dma_wait3A_688, %dma_wait3A_689, %dma_wait3A_690] : memref<200x8x128x8x128xf32, #tpu.memory_space<hbm>> -> memref<1x8x128x8x128xf32, #tpu.memory_space<hbm>>
    %dma_wait3A_692 = tpu.memref_squeeze %dma_wait3A_691 : memref<1x8x128x8x128xf32, #tpu.memory_space<hbm>> -> memref<8x128x8x128xf32, #tpu.memory_space<hbm>>
    %dma_wait3A_693 = arith.constant 0 : i32
    %dma_wait3A_694 = arith.constant 0 : i32
    %dma_wait3A_695 = arith.constant 0 : i32
    %dma_wait3A_696 = tpu.memref_slice %dma_wait3A_692[%dma_wait3A_693, %select_n3A_675, %dma_wait3A_694, %dma_wait3A_695] : memref<8x128x8x128xf32, #tpu.memory_space<hbm>> -> memref<8x1x8x128xf32, #tpu.memory_space<hbm>>
    %dma_wait3A_697 = tpu.memref_squeeze %dma_wait3A_696 : memref<8x1x8x128xf32, #tpu.memory_space<hbm>> -> memref<8x8x128xf32, #tpu.memory_space<hbm>>
    %dma_wait3A_698 = tpu.memref_slice %arg10[%dma_wait3A_677] : memref<6x!tpu.dma_semaphore, #tpu.memory_space<semaphore_mem>> -> memref<1x!tpu.dma_semaphore, #tpu.memory_space<semaphore_mem>>
    %dma_wait3A_699 = tpu.memref_squeeze %dma_wait3A_698 : memref<1x!tpu.dma_semaphore, #tpu.memory_space<semaphore_mem>> -> memref<!tpu.dma_semaphore, #tpu.memory_space<semaphore_mem>>
    %dma_wait3A_700 = arith.constant 0 : i32
    %dma_wait3A_701 = arith.constant 0 : i32
    %dma_wait3A_702 = arith.constant 0 : i32
    %dma_wait3A_703 = arith.constant 0 : i32
    %dma_wait3A_704 = tpu.memref_slice %arg4[%select_n3A_659, %dma_wait3A_700, %dma_wait3A_701, %dma_wait3A_702, %dma_wait3A_703] : memref<200x8x128x8x128xf32, #tpu.memory_space<hbm>> -> memref<1x8x128x8x128xf32, #tpu.memory_space<hbm>>
    %dma_wait3A_705 = tpu.memref_squeeze %dma_wait3A_704 : memref<1x8x128x8x128xf32, #tpu.memory_space<hbm>> -> memref<8x128x8x128xf32, #tpu.memory_space<hbm>>
    %dma_wait3A_706 = arith.constant 0 : i32
    %dma_wait3A_707 = arith.constant 0 : i32
    %dma_wait3A_708 = arith.constant 0 : i32
    %dma_wait3A_709 = tpu.memref_slice %dma_wait3A_705[%dma_wait3A_706, %select_n3A_675, %dma_wait3A_707, %dma_wait3A_708] : memref<8x128x8x128xf32, #tpu.memory_space<hbm>> -> memref<8x1x8x128xf32, #tpu.memory_space<hbm>>
    %dma_wait3A_710 = tpu.memref_squeeze %dma_wait3A_709 : memref<8x1x8x128xf32, #tpu.memory_space<hbm>> -> memref<8x8x128xf32, #tpu.memory_space<hbm>>
    %dma_wait3A_711 = arith.constant 0 : i32
    %dma_wait3A_712 = arith.constant 0 : i32
    %dma_wait3A_713 = arith.constant 0 : i32
    %dma_wait3A_714 = tpu.memref_slice %arg7[%dma_wait3A_676, %dma_wait3A_711, %dma_wait3A_712, %dma_wait3A_713] : memref<6x8x8x136xf32, #tpu.memory_space<vmem>> -> memref<1x8x8x136xf32, #tpu.memory_space<vmem>>
    %dma_wait3A_715 = tpu.memref_squeeze %dma_wait3A_714 : memref<1x8x8x136xf32, #tpu.memory_space<vmem>> -> memref<8x8x136xf32, #tpu.memory_space<vmem>>
    %dma_wait3A_716 = arith.constant 0 : i32
    %dma_wait3A_717 = arith.constant 0 : i32
    %dma_wait3A_718 = arith.constant 0 : i32
    %dma_wait3A_719 = tpu.memref_slice %dma_wait3A_715[%dma_wait3A_716, %dma_wait3A_717, %dma_wait3A_718] : memref<8x8x136xf32, #tpu.memory_space<vmem>> -> memref<8x8x128xf32, #tpu.memory_space<vmem>>
    tpu.wait_dma2 semaphore(%dma_wait3A_699 : memref<!tpu.dma_semaphore, #tpu.memory_space<semaphore_mem>>) src(%dma_wait3A_719 : memref<8x8x128xf32, #tpu.memory_space<vmem>>) dst(%dma_wait3A_710 : memref<8x8x128xf32, #tpu.memory_space<hbm>>)
    %add3A_720 = arith.constant 795 : i32
    %add3A_721 = arith.addi %mul3A_2, %add3A_720 : i32
    %jit3A_722 = arith.constant 128 : i32
    %div3A_723 = arith.divsi %add3A_721, %jit3A_722 : i32
    %sign3A_724 = arith.constant 0 : i32
    %sign3A_725 = arith.cmpi sgt, %add3A_721, %sign3A_724 : i32
    %sign3A_726 = arith.extui %sign3A_725 : i1 to i32
    %sign3A_727 = arith.constant 0 : i32
    %sign3A_728 = arith.cmpi slt, %add3A_721, %sign3A_727 : i32
    %sign3A_729 = arith.extui %sign3A_728 : i1 to i32
    %sign3A_730 = arith.subi %sign3A_726, %sign3A_729 : i32
    %sign3A_731 = arith.constant 0 : i32
    %sign3A_732 = arith.cmpi sgt, %jit3A_722, %sign3A_731 : i32
    %sign3A_733 = arith.extui %sign3A_732 : i1 to i32
    %sign3A_734 = arith.constant 0 : i32
    %sign3A_735 = arith.cmpi slt, %jit3A_722, %sign3A_734 : i32
    %sign3A_736 = arith.extui %sign3A_735 : i1 to i32
    %sign3A_737 = arith.subi %sign3A_733, %sign3A_736 : i32
    %ne3A_738 = arith.cmpi ne, %sign3A_730, %sign3A_737 : i32
    %rem3A_739 = arith.remsi %add3A_721, %jit3A_722 : i32
    %ne3A_740 = arith.constant 0 : i32
    %ne3A_741 = arith.cmpi ne, %rem3A_739, %ne3A_740 : i32
    %and3A_742 = arith.andi %ne3A_738, %ne3A_741 : i1
    %sub3A_743 = arith.constant 1 : i32
    %sub3A_744 = arith.subi %div3A_723, %sub3A_743 : i32
    %select_n3A_745 = arith.select %and3A_742, %sub3A_744, %div3A_723 : i32
    %jit3A_746 = arith.constant 128 : i32
    %eq3A_747 = arith.constant 0 : i32
    %eq3A_748 = arith.cmpi eq, %jit3A_746, %eq3A_747 : i32
    %jit3A_749 = arith.constant 1 : i32
    %select_n3A_750 = arith.select %eq3A_748, %jit3A_749, %jit3A_746 : i32
    %rem3A_751 = arith.remsi %add3A_721, %select_n3A_750 : i32
    %ne3A_752 = arith.constant 0 : i32
    %ne3A_753 = arith.cmpi ne, %rem3A_751, %ne3A_752 : i32
    %lt3A_754 = arith.constant 0 : i32
    %lt3A_755 = arith.cmpi slt, %rem3A_751, %lt3A_754 : i32
    %lt3A_756 = arith.constant 0 : i32
    %lt3A_757 = arith.cmpi slt, %select_n3A_750, %lt3A_756 : i32
    %ne3A_758 = arith.xori %lt3A_755, %lt3A_757 : i1
    %and3A_759 = arith.andi %ne3A_758, %ne3A_753 : i1
    %add3A_760 = arith.addi %rem3A_751, %select_n3A_750 : i32
    %select_n3A_761 = arith.select %and3A_759, %add3A_760, %rem3A_751 : i32
    %dma_wait3A_762 = arith.constant 3 : i32
    %dma_wait3A_763 = arith.constant 3 : i32
    %dma_wait3A_764 = arith.constant 0 : i32
    %dma_wait3A_765 = arith.constant 0 : i32
    %dma_wait3A_766 = arith.constant 0 : i32
    %dma_wait3A_767 = tpu.memref_slice %arg7[%dma_wait3A_762, %dma_wait3A_764, %dma_wait3A_765, %dma_wait3A_766] : memref<6x8x8x136xf32, #tpu.memory_space<vmem>> -> memref<1x8x8x136xf32, #tpu.memory_space<vmem>>
    %dma_wait3A_768 = tpu.memref_squeeze %dma_wait3A_767 : memref<1x8x8x136xf32, #tpu.memory_space<vmem>> -> memref<8x8x136xf32, #tpu.memory_space<vmem>>
    %dma_wait3A_769 = arith.constant 0 : i32
    %dma_wait3A_770 = arith.constant 0 : i32
    %dma_wait3A_771 = arith.constant 0 : i32
    %dma_wait3A_772 = tpu.memref_slice %dma_wait3A_768[%dma_wait3A_769, %dma_wait3A_770, %dma_wait3A_771] : memref<8x8x136xf32, #tpu.memory_space<vmem>> -> memref<8x8x128xf32, #tpu.memory_space<vmem>>
    %dma_wait3A_773 = arith.constant 0 : i32
    %dma_wait3A_774 = arith.constant 0 : i32
    %dma_wait3A_775 = arith.constant 0 : i32
    %dma_wait3A_776 = arith.constant 0 : i32
    %dma_wait3A_777 = tpu.memref_slice %arg4[%select_n3A_745, %dma_wait3A_773, %dma_wait3A_774, %dma_wait3A_775, %dma_wait3A_776] : memref<200x8x128x8x128xf32, #tpu.memory_space<hbm>> -> memref<1x8x128x8x128xf32, #tpu.memory_space<hbm>>
    %dma_wait3A_778 = tpu.memref_squeeze %dma_wait3A_777 : memref<1x8x128x8x128xf32, #tpu.memory_space<hbm>> -> memref<8x128x8x128xf32, #tpu.memory_space<hbm>>
    %dma_wait3A_779 = arith.constant 0 : i32
    %dma_wait3A_780 = arith.constant 0 : i32
    %dma_wait3A_781 = arith.constant 0 : i32
    %dma_wait3A_782 = tpu.memref_slice %dma_wait3A_778[%dma_wait3A_779, %select_n3A_761, %dma_wait3A_780, %dma_wait3A_781] : memref<8x128x8x128xf32, #tpu.memory_space<hbm>> -> memref<8x1x8x128xf32, #tpu.memory_space<hbm>>
    %dma_wait3A_783 = tpu.memref_squeeze %dma_wait3A_782 : memref<8x1x8x128xf32, #tpu.memory_space<hbm>> -> memref<8x8x128xf32, #tpu.memory_space<hbm>>
    %dma_wait3A_784 = tpu.memref_slice %arg10[%dma_wait3A_763] : memref<6x!tpu.dma_semaphore, #tpu.memory_space<semaphore_mem>> -> memref<1x!tpu.dma_semaphore, #tpu.memory_space<semaphore_mem>>
    %dma_wait3A_785 = tpu.memref_squeeze %dma_wait3A_784 : memref<1x!tpu.dma_semaphore, #tpu.memory_space<semaphore_mem>> -> memref<!tpu.dma_semaphore, #tpu.memory_space<semaphore_mem>>
    %dma_wait3A_786 = arith.constant 0 : i32
    %dma_wait3A_787 = arith.constant 0 : i32
    %dma_wait3A_788 = arith.constant 0 : i32
    %dma_wait3A_789 = arith.constant 0 : i32
    %dma_wait3A_790 = tpu.memref_slice %arg4[%select_n3A_745, %dma_wait3A_786, %dma_wait3A_787, %dma_wait3A_788, %dma_wait3A_789] : memref<200x8x128x8x128xf32, #tpu.memory_space<hbm>> -> memref<1x8x128x8x128xf32, #tpu.memory_space<hbm>>
    %dma_wait3A_791 = tpu.memref_squeeze %dma_wait3A_790 : memref<1x8x128x8x128xf32, #tpu.memory_space<hbm>> -> memref<8x128x8x128xf32, #tpu.memory_space<hbm>>
    %dma_wait3A_792 = arith.constant 0 : i32
    %dma_wait3A_793 = arith.constant 0 : i32
    %dma_wait3A_794 = arith.constant 0 : i32
    %dma_wait3A_795 = tpu.memref_slice %dma_wait3A_791[%dma_wait3A_792, %select_n3A_761, %dma_wait3A_793, %dma_wait3A_794] : memref<8x128x8x128xf32, #tpu.memory_space<hbm>> -> memref<8x1x8x128xf32, #tpu.memory_space<hbm>>
    %dma_wait3A_796 = tpu.memref_squeeze %dma_wait3A_795 : memref<8x1x8x128xf32, #tpu.memory_space<hbm>> -> memref<8x8x128xf32, #tpu.memory_space<hbm>>
    %dma_wait3A_797 = arith.constant 0 : i32
    %dma_wait3A_798 = arith.constant 0 : i32
    %dma_wait3A_799 = arith.constant 0 : i32
    %dma_wait3A_800 = tpu.memref_slice %arg7[%dma_wait3A_762, %dma_wait3A_797, %dma_wait3A_798, %dma_wait3A_799] : memref<6x8x8x136xf32, #tpu.memory_space<vmem>> -> memref<1x8x8x136xf32, #tpu.memory_space<vmem>>
    %dma_wait3A_801 = tpu.memref_squeeze %dma_wait3A_800 : memref<1x8x8x136xf32, #tpu.memory_space<vmem>> -> memref<8x8x136xf32, #tpu.memory_space<vmem>>
    %dma_wait3A_802 = arith.constant 0 : i32
    %dma_wait3A_803 = arith.constant 0 : i32
    %dma_wait3A_804 = arith.constant 0 : i32
    %dma_wait3A_805 = tpu.memref_slice %dma_wait3A_801[%dma_wait3A_802, %dma_wait3A_803, %dma_wait3A_804] : memref<8x8x136xf32, #tpu.memory_space<vmem>> -> memref<8x8x128xf32, #tpu.memory_space<vmem>>
    tpu.wait_dma2 semaphore(%dma_wait3A_785 : memref<!tpu.dma_semaphore, #tpu.memory_space<semaphore_mem>>) src(%dma_wait3A_805 : memref<8x8x128xf32, #tpu.memory_space<vmem>>) dst(%dma_wait3A_796 : memref<8x8x128xf32, #tpu.memory_space<hbm>>)
    %add3A_806 = arith.constant 796 : i32
    %add3A_807 = arith.addi %mul3A_2, %add3A_806 : i32
    %jit3A_808 = arith.constant 128 : i32
    %div3A_809 = arith.divsi %add3A_807, %jit3A_808 : i32
    %sign3A_810 = arith.constant 0 : i32
    %sign3A_811 = arith.cmpi sgt, %add3A_807, %sign3A_810 : i32
    %sign3A_812 = arith.extui %sign3A_811 : i1 to i32
    %sign3A_813 = arith.constant 0 : i32
    %sign3A_814 = arith.cmpi slt, %add3A_807, %sign3A_813 : i32
    %sign3A_815 = arith.extui %sign3A_814 : i1 to i32
    %sign3A_816 = arith.subi %sign3A_812, %sign3A_815 : i32
    %sign3A_817 = arith.constant 0 : i32
    %sign3A_818 = arith.cmpi sgt, %jit3A_808, %sign3A_817 : i32
    %sign3A_819 = arith.extui %sign3A_818 : i1 to i32
    %sign3A_820 = arith.constant 0 : i32
    %sign3A_821 = arith.cmpi slt, %jit3A_808, %sign3A_820 : i32
    %sign3A_822 = arith.extui %sign3A_821 : i1 to i32
    %sign3A_823 = arith.subi %sign3A_819, %sign3A_822 : i32
    %ne3A_824 = arith.cmpi ne, %sign3A_816, %sign3A_823 : i32
    %rem3A_825 = arith.remsi %add3A_807, %jit3A_808 : i32
    %ne3A_826 = arith.constant 0 : i32
    %ne3A_827 = arith.cmpi ne, %rem3A_825, %ne3A_826 : i32
    %and3A_828 = arith.andi %ne3A_824, %ne3A_827 : i1
    %sub3A_829 = arith.constant 1 : i32
    %sub3A_830 = arith.subi %div3A_809, %sub3A_829 : i32
    %select_n3A_831 = arith.select %and3A_828, %sub3A_830, %div3A_809 : i32
    %jit3A_832 = arith.constant 128 : i32
    %eq3A_833 = arith.constant 0 : i32
    %eq3A_834 = arith.cmpi eq, %jit3A_832, %eq3A_833 : i32
    %jit3A_835 = arith.constant 1 : i32
    %select_n3A_836 = arith.select %eq3A_834, %jit3A_835, %jit3A_832 : i32
    %rem3A_837 = arith.remsi %add3A_807, %select_n3A_836 : i32
    %ne3A_838 = arith.constant 0 : i32
    %ne3A_839 = arith.cmpi ne, %rem3A_837, %ne3A_838 : i32
    %lt3A_840 = arith.constant 0 : i32
    %lt3A_841 = arith.cmpi slt, %rem3A_837, %lt3A_840 : i32
    %lt3A_842 = arith.constant 0 : i32
    %lt3A_843 = arith.cmpi slt, %select_n3A_836, %lt3A_842 : i32
    %ne3A_844 = arith.xori %lt3A_841, %lt3A_843 : i1
    %and3A_845 = arith.andi %ne3A_844, %ne3A_839 : i1
    %add3A_846 = arith.addi %rem3A_837, %select_n3A_836 : i32
    %select_n3A_847 = arith.select %and3A_845, %add3A_846, %rem3A_837 : i32
    %dma_wait3A_848 = arith.constant 4 : i32
    %dma_wait3A_849 = arith.constant 4 : i32
    %dma_wait3A_850 = arith.constant 0 : i32
    %dma_wait3A_851 = arith.constant 0 : i32
    %dma_wait3A_852 = arith.constant 0 : i32
    %dma_wait3A_853 = tpu.memref_slice %arg7[%dma_wait3A_848, %dma_wait3A_850, %dma_wait3A_851, %dma_wait3A_852] : memref<6x8x8x136xf32, #tpu.memory_space<vmem>> -> memref<1x8x8x136xf32, #tpu.memory_space<vmem>>
    %dma_wait3A_854 = tpu.memref_squeeze %dma_wait3A_853 : memref<1x8x8x136xf32, #tpu.memory_space<vmem>> -> memref<8x8x136xf32, #tpu.memory_space<vmem>>
    %dma_wait3A_855 = arith.constant 0 : i32
    %dma_wait3A_856 = arith.constant 0 : i32
    %dma_wait3A_857 = arith.constant 0 : i32
    %dma_wait3A_858 = tpu.memref_slice %dma_wait3A_854[%dma_wait3A_855, %dma_wait3A_856, %dma_wait3A_857] : memref<8x8x136xf32, #tpu.memory_space<vmem>> -> memref<8x8x128xf32, #tpu.memory_space<vmem>>
    %dma_wait3A_859 = arith.constant 0 : i32
    %dma_wait3A_860 = arith.constant 0 : i32
    %dma_wait3A_861 = arith.constant 0 : i32
    %dma_wait3A_862 = arith.constant 0 : i32
    %dma_wait3A_863 = tpu.memref_slice %arg4[%select_n3A_831, %dma_wait3A_859, %dma_wait3A_860, %dma_wait3A_861, %dma_wait3A_862] : memref<200x8x128x8x128xf32, #tpu.memory_space<hbm>> -> memref<1x8x128x8x128xf32, #tpu.memory_space<hbm>>
    %dma_wait3A_864 = tpu.memref_squeeze %dma_wait3A_863 : memref<1x8x128x8x128xf32, #tpu.memory_space<hbm>> -> memref<8x128x8x128xf32, #tpu.memory_space<hbm>>
    %dma_wait3A_865 = arith.constant 0 : i32
    %dma_wait3A_866 = arith.constant 0 : i32
    %dma_wait3A_867 = arith.constant 0 : i32
    %dma_wait3A_868 = tpu.memref_slice %dma_wait3A_864[%dma_wait3A_865, %select_n3A_847, %dma_wait3A_866, %dma_wait3A_867] : memref<8x128x8x128xf32, #tpu.memory_space<hbm>> -> memref<8x1x8x128xf32, #tpu.memory_space<hbm>>
    %dma_wait3A_869 = tpu.memref_squeeze %dma_wait3A_868 : memref<8x1x8x128xf32, #tpu.memory_space<hbm>> -> memref<8x8x128xf32, #tpu.memory_space<hbm>>
    %dma_wait3A_870 = tpu.memref_slice %arg10[%dma_wait3A_849] : memref<6x!tpu.dma_semaphore, #tpu.memory_space<semaphore_mem>> -> memref<1x!tpu.dma_semaphore, #tpu.memory_space<semaphore_mem>>
    %dma_wait3A_871 = tpu.memref_squeeze %dma_wait3A_870 : memref<1x!tpu.dma_semaphore, #tpu.memory_space<semaphore_mem>> -> memref<!tpu.dma_semaphore, #tpu.memory_space<semaphore_mem>>
    %dma_wait3A_872 = arith.constant 0 : i32
    %dma_wait3A_873 = arith.constant 0 : i32
    %dma_wait3A_874 = arith.constant 0 : i32
    %dma_wait3A_875 = arith.constant 0 : i32
    %dma_wait3A_876 = tpu.memref_slice %arg4[%select_n3A_831, %dma_wait3A_872, %dma_wait3A_873, %dma_wait3A_874, %dma_wait3A_875] : memref<200x8x128x8x128xf32, #tpu.memory_space<hbm>> -> memref<1x8x128x8x128xf32, #tpu.memory_space<hbm>>
    %dma_wait3A_877 = tpu.memref_squeeze %dma_wait3A_876 : memref<1x8x128x8x128xf32, #tpu.memory_space<hbm>> -> memref<8x128x8x128xf32, #tpu.memory_space<hbm>>
    %dma_wait3A_878 = arith.constant 0 : i32
    %dma_wait3A_879 = arith.constant 0 : i32
    %dma_wait3A_880 = arith.constant 0 : i32
    %dma_wait3A_881 = tpu.memref_slice %dma_wait3A_877[%dma_wait3A_878, %select_n3A_847, %dma_wait3A_879, %dma_wait3A_880] : memref<8x128x8x128xf32, #tpu.memory_space<hbm>> -> memref<8x1x8x128xf32, #tpu.memory_space<hbm>>
    %dma_wait3A_882 = tpu.memref_squeeze %dma_wait3A_881 : memref<8x1x8x128xf32, #tpu.memory_space<hbm>> -> memref<8x8x128xf32, #tpu.memory_space<hbm>>
    %dma_wait3A_883 = arith.constant 0 : i32
    %dma_wait3A_884 = arith.constant 0 : i32
    %dma_wait3A_885 = arith.constant 0 : i32
    %dma_wait3A_886 = tpu.memref_slice %arg7[%dma_wait3A_848, %dma_wait3A_883, %dma_wait3A_884, %dma_wait3A_885] : memref<6x8x8x136xf32, #tpu.memory_space<vmem>> -> memref<1x8x8x136xf32, #tpu.memory_space<vmem>>
    %dma_wait3A_887 = tpu.memref_squeeze %dma_wait3A_886 : memref<1x8x8x136xf32, #tpu.memory_space<vmem>> -> memref<8x8x136xf32, #tpu.memory_space<vmem>>
    %dma_wait3A_888 = arith.constant 0 : i32
    %dma_wait3A_889 = arith.constant 0 : i32
    %dma_wait3A_890 = arith.constant 0 : i32
    %dma_wait3A_891 = tpu.memref_slice %dma_wait3A_887[%dma_wait3A_888, %dma_wait3A_889, %dma_wait3A_890] : memref<8x8x136xf32, #tpu.memory_space<vmem>> -> memref<8x8x128xf32, #tpu.memory_space<vmem>>
    tpu.wait_dma2 semaphore(%dma_wait3A_871 : memref<!tpu.dma_semaphore, #tpu.memory_space<semaphore_mem>>) src(%dma_wait3A_891 : memref<8x8x128xf32, #tpu.memory_space<vmem>>) dst(%dma_wait3A_882 : memref<8x8x128xf32, #tpu.memory_space<hbm>>)
    %add3A_892 = arith.constant 797 : i32
    %add3A_893 = arith.addi %mul3A_2, %add3A_892 : i32
    %jit3A_894 = arith.constant 128 : i32
    %div3A_895 = arith.divsi %add3A_893, %jit3A_894 : i32
    %sign3A_896 = arith.constant 0 : i32
    %sign3A_897 = arith.cmpi sgt, %add3A_893, %sign3A_896 : i32
    %sign3A_898 = arith.extui %sign3A_897 : i1 to i32
    %sign3A_899 = arith.constant 0 : i32
    %sign3A_900 = arith.cmpi slt, %add3A_893, %sign3A_899 : i32
    %sign3A_901 = arith.extui %sign3A_900 : i1 to i32
    %sign3A_902 = arith.subi %sign3A_898, %sign3A_901 : i32
    %sign3A_903 = arith.constant 0 : i32
    %sign3A_904 = arith.cmpi sgt, %jit3A_894, %sign3A_903 : i32
    %sign3A_905 = arith.extui %sign3A_904 : i1 to i32
    %sign3A_906 = arith.constant 0 : i32
    %sign3A_907 = arith.cmpi slt, %jit3A_894, %sign3A_906 : i32
    %sign3A_908 = arith.extui %sign3A_907 : i1 to i32
    %sign3A_909 = arith.subi %sign3A_905, %sign3A_908 : i32
    %ne3A_910 = arith.cmpi ne, %sign3A_902, %sign3A_909 : i32
    %rem3A_911 = arith.remsi %add3A_893, %jit3A_894 : i32
    %ne3A_912 = arith.constant 0 : i32
    %ne3A_913 = arith.cmpi ne, %rem3A_911, %ne3A_912 : i32
    %and3A_914 = arith.andi %ne3A_910, %ne3A_913 : i1
    %sub3A_915 = arith.constant 1 : i32
    %sub3A_916 = arith.subi %div3A_895, %sub3A_915 : i32
    %select_n3A_917 = arith.select %and3A_914, %sub3A_916, %div3A_895 : i32
    %jit3A_918 = arith.constant 128 : i32
    %eq3A_919 = arith.constant 0 : i32
    %eq3A_920 = arith.cmpi eq, %jit3A_918, %eq3A_919 : i32
    %jit3A_921 = arith.constant 1 : i32
    %select_n3A_922 = arith.select %eq3A_920, %jit3A_921, %jit3A_918 : i32
    %rem3A_923 = arith.remsi %add3A_893, %select_n3A_922 : i32
    %ne3A_924 = arith.constant 0 : i32
    %ne3A_925 = arith.cmpi ne, %rem3A_923, %ne3A_924 : i32
    %lt3A_926 = arith.constant 0 : i32
    %lt3A_927 = arith.cmpi slt, %rem3A_923, %lt3A_926 : i32
    %lt3A_928 = arith.constant 0 : i32
    %lt3A_929 = arith.cmpi slt, %select_n3A_922, %lt3A_928 : i32
    %ne3A_930 = arith.xori %lt3A_927, %lt3A_929 : i1
    %and3A_931 = arith.andi %ne3A_930, %ne3A_925 : i1
    %add3A_932 = arith.addi %rem3A_923, %select_n3A_922 : i32
    %select_n3A_933 = arith.select %and3A_931, %add3A_932, %rem3A_923 : i32
    %dma_wait3A_934 = arith.constant 5 : i32
    %dma_wait3A_935 = arith.constant 5 : i32
    %dma_wait3A_936 = arith.constant 0 : i32
    %dma_wait3A_937 = arith.constant 0 : i32
    %dma_wait3A_938 = arith.constant 0 : i32
    %dma_wait3A_939 = tpu.memref_slice %arg7[%dma_wait3A_934, %dma_wait3A_936, %dma_wait3A_937, %dma_wait3A_938] : memref<6x8x8x136xf32, #tpu.memory_space<vmem>> -> memref<1x8x8x136xf32, #tpu.memory_space<vmem>>
    %dma_wait3A_940 = tpu.memref_squeeze %dma_wait3A_939 : memref<1x8x8x136xf32, #tpu.memory_space<vmem>> -> memref<8x8x136xf32, #tpu.memory_space<vmem>>
    %dma_wait3A_941 = arith.constant 0 : i32
    %dma_wait3A_942 = arith.constant 0 : i32
    %dma_wait3A_943 = arith.constant 0 : i32
    %dma_wait3A_944 = tpu.memref_slice %dma_wait3A_940[%dma_wait3A_941, %dma_wait3A_942, %dma_wait3A_943] : memref<8x8x136xf32, #tpu.memory_space<vmem>> -> memref<8x8x128xf32, #tpu.memory_space<vmem>>
    %dma_wait3A_945 = arith.constant 0 : i32
    %dma_wait3A_946 = arith.constant 0 : i32
    %dma_wait3A_947 = arith.constant 0 : i32
    %dma_wait3A_948 = arith.constant 0 : i32
    %dma_wait3A_949 = tpu.memref_slice %arg4[%select_n3A_917, %dma_wait3A_945, %dma_wait3A_946, %dma_wait3A_947, %dma_wait3A_948] : memref<200x8x128x8x128xf32, #tpu.memory_space<hbm>> -> memref<1x8x128x8x128xf32, #tpu.memory_space<hbm>>
    %dma_wait3A_950 = tpu.memref_squeeze %dma_wait3A_949 : memref<1x8x128x8x128xf32, #tpu.memory_space<hbm>> -> memref<8x128x8x128xf32, #tpu.memory_space<hbm>>
    %dma_wait3A_951 = arith.constant 0 : i32
    %dma_wait3A_952 = arith.constant 0 : i32
    %dma_wait3A_953 = arith.constant 0 : i32
    %dma_wait3A_954 = tpu.memref_slice %dma_wait3A_950[%dma_wait3A_951, %select_n3A_933, %dma_wait3A_952, %dma_wait3A_953] : memref<8x128x8x128xf32, #tpu.memory_space<hbm>> -> memref<8x1x8x128xf32, #tpu.memory_space<hbm>>
    %dma_wait3A_955 = tpu.memref_squeeze %dma_wait3A_954 : memref<8x1x8x128xf32, #tpu.memory_space<hbm>> -> memref<8x8x128xf32, #tpu.memory_space<hbm>>
    %dma_wait3A_956 = tpu.memref_slice %arg10[%dma_wait3A_935] : memref<6x!tpu.dma_semaphore, #tpu.memory_space<semaphore_mem>> -> memref<1x!tpu.dma_semaphore, #tpu.memory_space<semaphore_mem>>
    %dma_wait3A_957 = tpu.memref_squeeze %dma_wait3A_956 : memref<1x!tpu.dma_semaphore, #tpu.memory_space<semaphore_mem>> -> memref<!tpu.dma_semaphore, #tpu.memory_space<semaphore_mem>>
    %dma_wait3A_958 = arith.constant 0 : i32
    %dma_wait3A_959 = arith.constant 0 : i32
    %dma_wait3A_960 = arith.constant 0 : i32
    %dma_wait3A_961 = arith.constant 0 : i32
    %dma_wait3A_962 = tpu.memref_slice %arg4[%select_n3A_917, %dma_wait3A_958, %dma_wait3A_959, %dma_wait3A_960, %dma_wait3A_961] : memref<200x8x128x8x128xf32, #tpu.memory_space<hbm>> -> memref<1x8x128x8x128xf32, #tpu.memory_space<hbm>>
    %dma_wait3A_963 = tpu.memref_squeeze %dma_wait3A_962 : memref<1x8x128x8x128xf32, #tpu.memory_space<hbm>> -> memref<8x128x8x128xf32, #tpu.memory_space<hbm>>
    %dma_wait3A_964 = arith.constant 0 : i32
    %dma_wait3A_965 = arith.constant 0 : i32
    %dma_wait3A_966 = arith.constant 0 : i32
    %dma_wait3A_967 = tpu.memref_slice %dma_wait3A_963[%dma_wait3A_964, %select_n3A_933, %dma_wait3A_965, %dma_wait3A_966] : memref<8x128x8x128xf32, #tpu.memory_space<hbm>> -> memref<8x1x8x128xf32, #tpu.memory_space<hbm>>
    %dma_wait3A_968 = tpu.memref_squeeze %dma_wait3A_967 : memref<8x1x8x128xf32, #tpu.memory_space<hbm>> -> memref<8x8x128xf32, #tpu.memory_space<hbm>>
    %dma_wait3A_969 = arith.constant 0 : i32
    %dma_wait3A_970 = arith.constant 0 : i32
    %dma_wait3A_971 = arith.constant 0 : i32
    %dma_wait3A_972 = tpu.memref_slice %arg7[%dma_wait3A_934, %dma_wait3A_969, %dma_wait3A_970, %dma_wait3A_971] : memref<6x8x8x136xf32, #tpu.memory_space<vmem>> -> memref<1x8x8x136xf32, #tpu.memory_space<vmem>>
    %dma_wait3A_973 = tpu.memref_squeeze %dma_wait3A_972 : memref<1x8x8x136xf32, #tpu.memory_space<vmem>> -> memref<8x8x136xf32, #tpu.memory_space<vmem>>
    %dma_wait3A_974 = arith.constant 0 : i32
    %dma_wait3A_975 = arith.constant 0 : i32
    %dma_wait3A_976 = arith.constant 0 : i32
    %dma_wait3A_977 = tpu.memref_slice %dma_wait3A_973[%dma_wait3A_974, %dma_wait3A_975, %dma_wait3A_976] : memref<8x8x136xf32, #tpu.memory_space<vmem>> -> memref<8x8x128xf32, #tpu.memory_space<vmem>>
    tpu.wait_dma2 semaphore(%dma_wait3A_957 : memref<!tpu.dma_semaphore, #tpu.memory_space<semaphore_mem>>) src(%dma_wait3A_977 : memref<8x8x128xf32, #tpu.memory_space<vmem>>) dst(%dma_wait3A_968 : memref<8x8x128xf32, #tpu.memory_space<hbm>>)
    %add3A_978 = arith.constant 798 : i32
    %add3A_979 = arith.addi %mul3A_2, %add3A_978 : i32
    %jit3A_980 = arith.constant 128 : i32
    %div3A_981 = arith.divsi %add3A_979, %jit3A_980 : i32
    %sign3A_982 = arith.constant 0 : i32
    %sign3A_983 = arith.cmpi sgt, %add3A_979, %sign3A_982 : i32
    %sign3A_984 = arith.extui %sign3A_983 : i1 to i32
    %sign3A_985 = arith.constant 0 : i32
    %sign3A_986 = arith.cmpi slt, %add3A_979, %sign3A_985 : i32
    %sign3A_987 = arith.extui %sign3A_986 : i1 to i32
    %sign3A_988 = arith.subi %sign3A_984, %sign3A_987 : i32
    %sign3A_989 = arith.constant 0 : i32
    %sign3A_990 = arith.cmpi sgt, %jit3A_980, %sign3A_989 : i32
    %sign3A_991 = arith.extui %sign3A_990 : i1 to i32
    %sign3A_992 = arith.constant 0 : i32
    %sign3A_993 = arith.cmpi slt, %jit3A_980, %sign3A_992 : i32
    %sign3A_994 = arith.extui %sign3A_993 : i1 to i32
    %sign3A_995 = arith.subi %sign3A_991, %sign3A_994 : i32
    %ne3A_996 = arith.cmpi ne, %sign3A_988, %sign3A_995 : i32
    %rem3A_997 = arith.remsi %add3A_979, %jit3A_980 : i32
    %ne3A_998 = arith.constant 0 : i32
    %ne3A_999 = arith.cmpi ne, %rem3A_997, %ne3A_998 : i32
    %and3A_1000 = arith.andi %ne3A_996, %ne3A_999 : i1
    %sub3A_1001 = arith.constant 1 : i32
    %sub3A_1002 = arith.subi %div3A_981, %sub3A_1001 : i32
    %select_n3A_1003 = arith.select %and3A_1000, %sub3A_1002, %div3A_981 : i32
    %jit3A_1004 = arith.constant 128 : i32
    %eq3A_1005 = arith.constant 0 : i32
    %eq3A_1006 = arith.cmpi eq, %jit3A_1004, %eq3A_1005 : i32
    %jit3A_1007 = arith.constant 1 : i32
    %select_n3A_1008 = arith.select %eq3A_1006, %jit3A_1007, %jit3A_1004 : i32
    %rem3A_1009 = arith.remsi %add3A_979, %select_n3A_1008 : i32
    %ne3A_1010 = arith.constant 0 : i32
    %ne3A_1011 = arith.cmpi ne, %rem3A_1009, %ne3A_1010 : i32
    %lt3A_1012 = arith.constant 0 : i32
    %lt3A_1013 = arith.cmpi slt, %rem3A_1009, %lt3A_1012 : i32
    %lt3A_1014 = arith.constant 0 : i32
    %lt3A_1015 = arith.cmpi slt, %select_n3A_1008, %lt3A_1014 : i32
    %ne3A_1016 = arith.xori %lt3A_1013, %lt3A_1015 : i1
    %and3A_1017 = arith.andi %ne3A_1016, %ne3A_1011 : i1
    %add3A_1018 = arith.addi %rem3A_1009, %select_n3A_1008 : i32
    %select_n3A_1019 = arith.select %and3A_1017, %add3A_1018, %rem3A_1009 : i32
    %dma_wait3A_1020 = arith.constant 0 : i32
    %dma_wait3A_1021 = arith.constant 0 : i32
    %dma_wait3A_1022 = arith.constant 0 : i32
    %dma_wait3A_1023 = arith.constant 0 : i32
    %dma_wait3A_1024 = arith.constant 0 : i32
    %dma_wait3A_1025 = tpu.memref_slice %arg7[%dma_wait3A_1020, %dma_wait3A_1022, %dma_wait3A_1023, %dma_wait3A_1024] : memref<6x8x8x136xf32, #tpu.memory_space<vmem>> -> memref<1x8x8x136xf32, #tpu.memory_space<vmem>>
    %dma_wait3A_1026 = tpu.memref_squeeze %dma_wait3A_1025 : memref<1x8x8x136xf32, #tpu.memory_space<vmem>> -> memref<8x8x136xf32, #tpu.memory_space<vmem>>
    %dma_wait3A_1027 = arith.constant 0 : i32
    %dma_wait3A_1028 = arith.constant 0 : i32
    %dma_wait3A_1029 = arith.constant 0 : i32
    %dma_wait3A_1030 = tpu.memref_slice %dma_wait3A_1026[%dma_wait3A_1027, %dma_wait3A_1028, %dma_wait3A_1029] : memref<8x8x136xf32, #tpu.memory_space<vmem>> -> memref<8x8x128xf32, #tpu.memory_space<vmem>>
    %dma_wait3A_1031 = arith.constant 0 : i32
    %dma_wait3A_1032 = arith.constant 0 : i32
    %dma_wait3A_1033 = arith.constant 0 : i32
    %dma_wait3A_1034 = arith.constant 0 : i32
    %dma_wait3A_1035 = tpu.memref_slice %arg4[%select_n3A_1003, %dma_wait3A_1031, %dma_wait3A_1032, %dma_wait3A_1033, %dma_wait3A_1034] : memref<200x8x128x8x128xf32, #tpu.memory_space<hbm>> -> memref<1x8x128x8x128xf32, #tpu.memory_space<hbm>>
    %dma_wait3A_1036 = tpu.memref_squeeze %dma_wait3A_1035 : memref<1x8x128x8x128xf32, #tpu.memory_space<hbm>> -> memref<8x128x8x128xf32, #tpu.memory_space<hbm>>
    %dma_wait3A_1037 = arith.constant 0 : i32
    %dma_wait3A_1038 = arith.constant 0 : i32
    %dma_wait3A_1039 = arith.constant 0 : i32
    %dma_wait3A_1040 = tpu.memref_slice %dma_wait3A_1036[%dma_wait3A_1037, %select_n3A_1019, %dma_wait3A_1038, %dma_wait3A_1039] : memref<8x128x8x128xf32, #tpu.memory_space<hbm>> -> memref<8x1x8x128xf32, #tpu.memory_space<hbm>>
    %dma_wait3A_1041 = tpu.memref_squeeze %dma_wait3A_1040 : memref<8x1x8x128xf32, #tpu.memory_space<hbm>> -> memref<8x8x128xf32, #tpu.memory_space<hbm>>
    %dma_wait3A_1042 = tpu.memref_slice %arg10[%dma_wait3A_1021] : memref<6x!tpu.dma_semaphore, #tpu.memory_space<semaphore_mem>> -> memref<1x!tpu.dma_semaphore, #tpu.memory_space<semaphore_mem>>
    %dma_wait3A_1043 = tpu.memref_squeeze %dma_wait3A_1042 : memref<1x!tpu.dma_semaphore, #tpu.memory_space<semaphore_mem>> -> memref<!tpu.dma_semaphore, #tpu.memory_space<semaphore_mem>>
    %dma_wait3A_1044 = arith.constant 0 : i32
    %dma_wait3A_1045 = arith.constant 0 : i32
    %dma_wait3A_1046 = arith.constant 0 : i32
    %dma_wait3A_1047 = arith.constant 0 : i32
    %dma_wait3A_1048 = tpu.memref_slice %arg4[%select_n3A_1003, %dma_wait3A_1044, %dma_wait3A_1045, %dma_wait3A_1046, %dma_wait3A_1047] : memref<200x8x128x8x128xf32, #tpu.memory_space<hbm>> -> memref<1x8x128x8x128xf32, #tpu.memory_space<hbm>>
    %dma_wait3A_1049 = tpu.memref_squeeze %dma_wait3A_1048 : memref<1x8x128x8x128xf32, #tpu.memory_space<hbm>> -> memref<8x128x8x128xf32, #tpu.memory_space<hbm>>
    %dma_wait3A_1050 = arith.constant 0 : i32
    %dma_wait3A_1051 = arith.constant 0 : i32
    %dma_wait3A_1052 = arith.constant 0 : i32
    %dma_wait3A_1053 = tpu.memref_slice %dma_wait3A_1049[%dma_wait3A_1050, %select_n3A_1019, %dma_wait3A_1051, %dma_wait3A_1052] : memref<8x128x8x128xf32, #tpu.memory_space<hbm>> -> memref<8x1x8x128xf32, #tpu.memory_space<hbm>>
    %dma_wait3A_1054 = tpu.memref_squeeze %dma_wait3A_1053 : memref<8x1x8x128xf32, #tpu.memory_space<hbm>> -> memref<8x8x128xf32, #tpu.memory_space<hbm>>
    %dma_wait3A_1055 = arith.constant 0 : i32
    %dma_wait3A_1056 = arith.constant 0 : i32
    %dma_wait3A_1057 = arith.constant 0 : i32
    %dma_wait3A_1058 = tpu.memref_slice %arg7[%dma_wait3A_1020, %dma_wait3A_1055, %dma_wait3A_1056, %dma_wait3A_1057] : memref<6x8x8x136xf32, #tpu.memory_space<vmem>> -> memref<1x8x8x136xf32, #tpu.memory_space<vmem>>
    %dma_wait3A_1059 = tpu.memref_squeeze %dma_wait3A_1058 : memref<1x8x8x136xf32, #tpu.memory_space<vmem>> -> memref<8x8x136xf32, #tpu.memory_space<vmem>>
    %dma_wait3A_1060 = arith.constant 0 : i32
    %dma_wait3A_1061 = arith.constant 0 : i32
    %dma_wait3A_1062 = arith.constant 0 : i32
    %dma_wait3A_1063 = tpu.memref_slice %dma_wait3A_1059[%dma_wait3A_1060, %dma_wait3A_1061, %dma_wait3A_1062] : memref<8x8x136xf32, #tpu.memory_space<vmem>> -> memref<8x8x128xf32, #tpu.memory_space<vmem>>
    tpu.wait_dma2 semaphore(%dma_wait3A_1043 : memref<!tpu.dma_semaphore, #tpu.memory_space<semaphore_mem>>) src(%dma_wait3A_1063 : memref<8x8x128xf32, #tpu.memory_space<vmem>>) dst(%dma_wait3A_1054 : memref<8x8x128xf32, #tpu.memory_space<hbm>>)
    %add3A_1064 = arith.constant 799 : i32
    %add3A_1065 = arith.addi %mul3A_2, %add3A_1064 : i32
    %jit3A_1066 = arith.constant 128 : i32
    %div3A_1067 = arith.divsi %add3A_1065, %jit3A_1066 : i32
    %sign3A_1068 = arith.constant 0 : i32
    %sign3A_1069 = arith.cmpi sgt, %add3A_1065, %sign3A_1068 : i32
    %sign3A_1070 = arith.extui %sign3A_1069 : i1 to i32
    %sign3A_1071 = arith.constant 0 : i32
    %sign3A_1072 = arith.cmpi slt, %add3A_1065, %sign3A_1071 : i32
    %sign3A_1073 = arith.extui %sign3A_1072 : i1 to i32
    %sign3A_1074 = arith.subi %sign3A_1070, %sign3A_1073 : i32
    %sign3A_1075 = arith.constant 0 : i32
    %sign3A_1076 = arith.cmpi sgt, %jit3A_1066, %sign3A_1075 : i32
    %sign3A_1077 = arith.extui %sign3A_1076 : i1 to i32
    %sign3A_1078 = arith.constant 0 : i32
    %sign3A_1079 = arith.cmpi slt, %jit3A_1066, %sign3A_1078 : i32
    %sign3A_1080 = arith.extui %sign3A_1079 : i1 to i32
    %sign3A_1081 = arith.subi %sign3A_1077, %sign3A_1080 : i32
    %ne3A_1082 = arith.cmpi ne, %sign3A_1074, %sign3A_1081 : i32
    %rem3A_1083 = arith.remsi %add3A_1065, %jit3A_1066 : i32
    %ne3A_1084 = arith.constant 0 : i32
    %ne3A_1085 = arith.cmpi ne, %rem3A_1083, %ne3A_1084 : i32
    %and3A_1086 = arith.andi %ne3A_1082, %ne3A_1085 : i1
    %sub3A_1087 = arith.constant 1 : i32
    %sub3A_1088 = arith.subi %div3A_1067, %sub3A_1087 : i32
    %select_n3A_1089 = arith.select %and3A_1086, %sub3A_1088, %div3A_1067 : i32
    %jit3A_1090 = arith.constant 128 : i32
    %eq3A_1091 = arith.constant 0 : i32
    %eq3A_1092 = arith.cmpi eq, %jit3A_1090, %eq3A_1091 : i32
    %jit3A_1093 = arith.constant 1 : i32
    %select_n3A_1094 = arith.select %eq3A_1092, %jit3A_1093, %jit3A_1090 : i32
    %rem3A_1095 = arith.remsi %add3A_1065, %select_n3A_1094 : i32
    %ne3A_1096 = arith.constant 0 : i32
    %ne3A_1097 = arith.cmpi ne, %rem3A_1095, %ne3A_1096 : i32
    %lt3A_1098 = arith.constant 0 : i32
    %lt3A_1099 = arith.cmpi slt, %rem3A_1095, %lt3A_1098 : i32
    %lt3A_1100 = arith.constant 0 : i32
    %lt3A_1101 = arith.cmpi slt, %select_n3A_1094, %lt3A_1100 : i32
    %ne3A_1102 = arith.xori %lt3A_1099, %lt3A_1101 : i1
    %and3A_1103 = arith.andi %ne3A_1102, %ne3A_1097 : i1
    %add3A_1104 = arith.addi %rem3A_1095, %select_n3A_1094 : i32
    %select_n3A_1105 = arith.select %and3A_1103, %add3A_1104, %rem3A_1095 : i32
    %dma_wait3A_1106 = arith.constant 1 : i32
    %dma_wait3A_1107 = arith.constant 1 : i32
    %dma_wait3A_1108 = arith.constant 0 : i32
    %dma_wait3A_1109 = arith.constant 0 : i32
    %dma_wait3A_1110 = arith.constant 0 : i32
    %dma_wait3A_1111 = tpu.memref_slice %arg7[%dma_wait3A_1106, %dma_wait3A_1108, %dma_wait3A_1109, %dma_wait3A_1110] : memref<6x8x8x136xf32, #tpu.memory_space<vmem>> -> memref<1x8x8x136xf32, #tpu.memory_space<vmem>>
    %dma_wait3A_1112 = tpu.memref_squeeze %dma_wait3A_1111 : memref<1x8x8x136xf32, #tpu.memory_space<vmem>> -> memref<8x8x136xf32, #tpu.memory_space<vmem>>
    %dma_wait3A_1113 = arith.constant 0 : i32
    %dma_wait3A_1114 = arith.constant 0 : i32
    %dma_wait3A_1115 = arith.constant 0 : i32
    %dma_wait3A_1116 = tpu.memref_slice %dma_wait3A_1112[%dma_wait3A_1113, %dma_wait3A_1114, %dma_wait3A_1115] : memref<8x8x136xf32, #tpu.memory_space<vmem>> -> memref<8x8x128xf32, #tpu.memory_space<vmem>>
    %dma_wait3A_1117 = arith.constant 0 : i32
    %dma_wait3A_1118 = arith.constant 0 : i32
    %dma_wait3A_1119 = arith.constant 0 : i32
    %dma_wait3A_1120 = arith.constant 0 : i32
    %dma_wait3A_1121 = tpu.memref_slice %arg4[%select_n3A_1089, %dma_wait3A_1117, %dma_wait3A_1118, %dma_wait3A_1119, %dma_wait3A_1120] : memref<200x8x128x8x128xf32, #tpu.memory_space<hbm>> -> memref<1x8x128x8x128xf32, #tpu.memory_space<hbm>>
    %dma_wait3A_1122 = tpu.memref_squeeze %dma_wait3A_1121 : memref<1x8x128x8x128xf32, #tpu.memory_space<hbm>> -> memref<8x128x8x128xf32, #tpu.memory_space<hbm>>
    %dma_wait3A_1123 = arith.constant 0 : i32
    %dma_wait3A_1124 = arith.constant 0 : i32
    %dma_wait3A_1125 = arith.constant 0 : i32
    %dma_wait3A_1126 = tpu.memref_slice %dma_wait3A_1122[%dma_wait3A_1123, %select_n3A_1105, %dma_wait3A_1124, %dma_wait3A_1125] : memref<8x128x8x128xf32, #tpu.memory_space<hbm>> -> memref<8x1x8x128xf32, #tpu.memory_space<hbm>>
    %dma_wait3A_1127 = tpu.memref_squeeze %dma_wait3A_1126 : memref<8x1x8x128xf32, #tpu.memory_space<hbm>> -> memref<8x8x128xf32, #tpu.memory_space<hbm>>
    %dma_wait3A_1128 = tpu.memref_slice %arg10[%dma_wait3A_1107] : memref<6x!tpu.dma_semaphore, #tpu.memory_space<semaphore_mem>> -> memref<1x!tpu.dma_semaphore, #tpu.memory_space<semaphore_mem>>
    %dma_wait3A_1129 = tpu.memref_squeeze %dma_wait3A_1128 : memref<1x!tpu.dma_semaphore, #tpu.memory_space<semaphore_mem>> -> memref<!tpu.dma_semaphore, #tpu.memory_space<semaphore_mem>>
    %dma_wait3A_1130 = arith.constant 0 : i32
    %dma_wait3A_1131 = arith.constant 0 : i32
    %dma_wait3A_1132 = arith.constant 0 : i32
    %dma_wait3A_1133 = arith.constant 0 : i32
    %dma_wait3A_1134 = tpu.memref_slice %arg4[%select_n3A_1089, %dma_wait3A_1130, %dma_wait3A_1131, %dma_wait3A_1132, %dma_wait3A_1133] : memref<200x8x128x8x128xf32, #tpu.memory_space<hbm>> -> memref<1x8x128x8x128xf32, #tpu.memory_space<hbm>>
    %dma_wait3A_1135 = tpu.memref_squeeze %dma_wait3A_1134 : memref<1x8x128x8x128xf32, #tpu.memory_space<hbm>> -> memref<8x128x8x128xf32, #tpu.memory_space<hbm>>
    %dma_wait3A_1136 = arith.constant 0 : i32
    %dma_wait3A_1137 = arith.constant 0 : i32
    %dma_wait3A_1138 = arith.constant 0 : i32
    %dma_wait3A_1139 = tpu.memref_slice %dma_wait3A_1135[%dma_wait3A_1136, %select_n3A_1105, %dma_wait3A_1137, %dma_wait3A_1138] : memref<8x128x8x128xf32, #tpu.memory_space<hbm>> -> memref<8x1x8x128xf32, #tpu.memory_space<hbm>>
    %dma_wait3A_1140 = tpu.memref_squeeze %dma_wait3A_1139 : memref<8x1x8x128xf32, #tpu.memory_space<hbm>> -> memref<8x8x128xf32, #tpu.memory_space<hbm>>
    %dma_wait3A_1141 = arith.constant 0 : i32
    %dma_wait3A_1142 = arith.constant 0 : i32
    %dma_wait3A_1143 = arith.constant 0 : i32
    %dma_wait3A_1144 = tpu.memref_slice %arg7[%dma_wait3A_1106, %dma_wait3A_1141, %dma_wait3A_1142, %dma_wait3A_1143] : memref<6x8x8x136xf32, #tpu.memory_space<vmem>> -> memref<1x8x8x136xf32, #tpu.memory_space<vmem>>
    %dma_wait3A_1145 = tpu.memref_squeeze %dma_wait3A_1144 : memref<1x8x8x136xf32, #tpu.memory_space<vmem>> -> memref<8x8x136xf32, #tpu.memory_space<vmem>>
    %dma_wait3A_1146 = arith.constant 0 : i32
    %dma_wait3A_1147 = arith.constant 0 : i32
    %dma_wait3A_1148 = arith.constant 0 : i32
    %dma_wait3A_1149 = tpu.memref_slice %dma_wait3A_1145[%dma_wait3A_1146, %dma_wait3A_1147, %dma_wait3A_1148] : memref<8x8x136xf32, #tpu.memory_space<vmem>> -> memref<8x8x128xf32, #tpu.memory_space<vmem>>
    tpu.wait_dma2 semaphore(%dma_wait3A_1129 : memref<!tpu.dma_semaphore, #tpu.memory_space<semaphore_mem>>) src(%dma_wait3A_1149 : memref<8x8x128xf32, #tpu.memory_space<vmem>>) dst(%dma_wait3A_1140 : memref<8x8x128xf32, #tpu.memory_space<hbm>>)
    return
  }
}

</mosaic_0001>

<sc_bundles>
// kernel: kernel.3.cloned.1.call-start
scs
__scs_entry_jumppad:
0x0: {  	(pc) =	sbr.rel $0x88, $3  }
0x1: {  	(tag) =	ssettag $0x0;
	lr =	simm.s32 $0x1  }
0x2: {  	[smem:$0x3F9F] =	sst lr;
	_ =	strace $0xD0000000  }
0x3: {  	_ = 	snop  }
0x4: {  	_ = 	snop  }
0x5: {  	_ = 	snop  }
0x6: {  	_ = 	snop  }
0x7: {  	_ = 	snop  }
__scs_overlays_trampoline_lowered:
0x8: {  	[smem:$0x3FAE] =	sst s0  }
0x9: {  	[smem:$0x3FAF] =	sst s1  }
0xa: {  	[smem:$0x3FB0] =	sst s2  }
0xb: {  	[smem:$0x3FB1] =	sst s3  }
0xc: {  	[smem:$0x3FB2] =	sst s4  }
0xd: {  	[smem:$0x3FB3] =	sst s5  }
0xe: {  	[smem:$0x3FB4] =	sst s6  }
0xf: {  	[smem:$0x3FB5] =	sst s7  }
0x10: {  	[smem:$0x3FB6] =	sst s8  }
0x11: {  	[smem:$0x3FB7] =	sst s9;
	s0 =	simm.s32 @!p0 $0x0  }
0x12: {  	s1 =	sld [smem:$0x3F9D];
	s0 =	simm.s32 @p0 $0x1  }
0x13: {  	[smem:$0x3FB8] =	sst s0;
	s0 =	simm.s32 @!p1 $0x0  }
0x14: {  	s2 =	sld [smem:$0x3F9C];
	s0 =	simm.s32 @p1 $0x1  }
0x15: {  	[smem:$0x3FB9] =	sst s0;
	s0 =	simm.s32 @!p2 $0x0  }
0x16: {  	s3 =	sld [smem:$0x3FDB];
	s0 =	simm.s32 @p2 $0x1  }
0x17: {  	s4 =	simm.s32 $0x1BF5;
	[smem:$0x3FBB] =	sst s0  }
0x18: {  	s0 =	sld [smem:$0x3F9E];
	_ =	swait.ge [sflag:s4], $0x0  }
0x19: {  	s7 =	sld [smem:$0x3F9F]  }
0x1a: {  	s8 =	sadd.s32 $0xFFFFE003, lr  }
0x1b: {  	s9 =	sadd.s32 $0xFFFFFEF7, lr;
	s5 =	simm.s32 $0xFFFFFFFF;
	p2 =	slt.u32 s8, $0xFFFFF086  }
0x1c: {  	p1 =	slt.u32 s9, $0xF7A;
	s5 =	simm.s32 @!p2 $0x0  }
0x1d: {  	s5 =	simm.s32 @p1 $0x1;
	p0 =	seq.s32 s7, s2  }
0x1e: {  	s7 =	smul.u32 @!p0 $0xF7A, s2;
	p2 =	seq.s32 @!p0 s5, $0x0  }
0x1f: {  	s9 =	smul.u32 $0xF7A, s1;
	s8 =	simm.s32 @!p0 $0x1BF5;
	p2 =	por !p2, p0  }
0x20: {  	[sflag:s8] =	ssyncset.s32 @!p0 $0xFFFFF086;
	s6 =	sadd.s32 @!p0 s3, s7;
	s7 =	simm.s32 @!p0 $0x108  }
0x21: {  	s3 =	sadd.s32 s3, s9;
	s6 =	sadd.s32 @!p0 $0x88, s6;
	s7 =	simm.s32 @p2 $0x1082  }
0x22: {  	[simem:s7], [sflag:s8] =	dma.local @!p0 [hbm:s6], $0xF7A  }
0x23: {  	s9 =	sor.u32 $0xD0000000, s2;
	s6 =	simm.s32 $0x108;
	_ =	swait.ge @!p0 [sflag:s8], $0x0  }
0x24: {  	s3 =	sadd.s32 $0x88, s3;
	s6 =	simm.s32 @!p1 $0x1082;
	[sflag:s4] =	ssyncset.s32 $0xFFFFF086  }
0x25: {  	[simem:s6], [sflag:s4] =	dma.local [hbm:s3], $0xF7A  }
0x26: {  	[smem:$0x3F9F] =	sst s1;
	(tag) =	ssettag s2;
	_ =	strace s9  }
0x27: {  	s1 =	sld [smem:$0x3FAF]  }
0x28: {  	s2 =	sld [smem:$0x3FB0]  }
0x29: {  	s4 =	sld [smem:$0x3FB2]  }
0x2a: {  	p0 =	seq.s32 s5, $0x0;
	s5 =	sld [smem:$0x3FB3]  }
0x2b: {  	s6 =	sld [smem:$0x3FB4]  }
0x2c: {  	s7 =	sld [smem:$0x3FB5]  }
0x2d: {  	s3 =	simm.s32 $0x108;
	s8 =	sld [smem:$0x3FB6]  }
0x2e: {  	s3 =	simm.s32 @!p0 $0x1082;
	s9 =	sld [smem:$0x3FB7]  }
0x2f: {  	lr =	sadd.s32 s0, s3;
	s0 =	sld [smem:$0x3FAE]  }
0x30: {  	s3 =	sld [smem:$0x3FB1]  }
0x31: {  	[smem:$0x3FBA] =	sst s10  }
0x32: {  	s10 =	sld [smem:$0x3FB8];
	_ =	sdelay $0x3  }
0x33: {  	p0 =	seq.s32 s10, $0x1;
	s10 =	sld [smem:$0x3FBA];
	_ =	sdelay $0x3  }
0x34: {  	[smem:$0x3FBA] =	sst s10  }
0x35: {  	s10 =	sld [smem:$0x3FB9];
	_ =	sdelay $0x3  }
0x36: {  	p1 =	seq.s32 s10, $0x1;
	s10 =	sld [smem:$0x3FBA];
	_ =	sdelay $0x3  }
0x37: {  	[smem:$0x3FBA] =	sst s10  }
0x38: {  	s10 =	sld [smem:$0x3FBB]  }
0x39: {  	_ = 	snop;
	(pc) =	sbr.ind lr, $3  }
0x3a: {  	_ = 	snop  }
0x3b: {  	_ = 	snop  }
0x3c: {  	p2 =	seq.s32 s10, $0x1;
	s10 =	sld [smem:$0x3FBA]  }
0x3d: {  	_ =	shalt  }
0x3e: {  	_ =	shalt  }
0x3f: {  	_ =	shalt  }
0x40: {  	_ =	shalt  }
0x41: {  	_ =	shalt  }
0x42: {  	_ =	shalt  }
0x43: {  	_ =	shalt  }
0x44: {  	_ =	shalt  }
0x45: {  	_ =	shalt  }
0x46: {  	_ =	shalt  }
0x47: {  	_ =	shalt  }
0x48: {  	_ =	shalt  }
0x49: {  	_ =	shalt  }
0x4a: {  	_ =	shalt  }
0x4b: {  	_ =	shalt  }
0x4c: {  	_ =	shalt  }
0x4d: {  	_ =	shalt  }
0x4e: {  	_ =	shalt  }
0x4f: {  	_ =	shalt  }
0x50: {  	_ =	shalt  }
0x51: {  	_ =	shalt  }
0x52: {  	_ =	shalt  }
0x53: {  	_ =	shalt  }
0x54: {  	_ =	shalt  }
0x55: {  	_ =	shalt  }
0x56: {  	_ =	shalt  }
0x57: {  	_ =	shalt  }
0x58: {  	_ =	shalt  }
0x59: {  	_ =	shalt  }
0x5a: {  	_ =	shalt  }
0x5b: {  	_ =	shalt  }
0x5c: {  	_ =	shalt  }
0x5d: {  	_ =	shalt  }
0x5e: {  	_ =	shalt  }
0x5f: {  	_ =	shalt  }
0x60: {  	_ =	shalt  }
0x61: {  	_ =	shalt  }
0x62: {  	_ =	shalt  }
0x63: {  	_ =	shalt  }
0x64: {  	_ =	shalt  }
0x65: {  	_ =	shalt  }
0x66: {  	_ =	shalt  }
0x67: {  	_ =	shalt  }
0x68: {  	_ =	shalt  }
0x69: {  	_ =	shalt  }
0x6a: {  	_ =	shalt  }
0x6b: {  	_ =	shalt  }
0x6c: {  	_ =	shalt  }
0x6d: {  	_ =	shalt  }
0x6e: {  	_ =	shalt  }
0x6f: {  	_ =	shalt  }
0x70: {  	_ =	shalt  }
0x71: {  	_ =	shalt  }
0x72: {  	_ =	shalt  }
0x73: {  	_ =	shalt  }
0x74: {  	_ =	shalt  }
0x75: {  	_ =	shalt  }
0x76: {  	_ =	shalt  }
0x77: {  	_ =	shalt  }
0x78: {  	_ =	shalt  }
0x79: {  	_ =	shalt  }
0x7a: {  	_ =	shalt  }
0x7b: {  	_ =	shalt  }
0x7c: {  	_ =	shalt  }
0x7d: {  	_ =	shalt  }
0x7e: {  	_ =	shalt  }
0x7f: {  	_ =	shalt  }
0x80: {  	_ =	shalt  }
0x81: {  	_ =	shalt  }
0x82: {  	_ =	shalt  }
0x83: {  	_ =	shalt  }
0x84: {  	_ =	shalt  }
0x85: {  	_ =	shalt  }
0x86: {  	_ =	shalt  }
0x87: {  	_ =	shalt  }
.Lfunc_end0:
.L_simem_size_0:
called_computation_lowered:
.L_overlay_start_0:
0x88: {  	s2 =	sld [smem:$0x3FD9]  }
0x89: {  	s3 =	sld [smem:$0x3FFE];
	_ =	sdelay $0x1  }
0x8a: {  	s1 =	srdreg.scid  }
0x8b: {  	s0 =	sand.u32 $0x1, s1  }
0x8c: {  	s17 =	sshll.u32 s0, $0xA;
	s2 =	sadd.s32 s3, s2  }
0x8d: {  	s2 =	sadd.s32 s2, s17  }
0x8e: {  	[smem:$0x3FC6] =	sst s2  }
0x8f: {  	_ = 	snop  }
0x90: {  	s2 =	sld [smem:$0x3FD0];
	(tm) =	ssettm $0x1  }
0x91: {  	s18 =	sld [smem:$0x3FFB];
	_ =	sdelay $0x3  }
0x92: {  	_ =	strace s18  }
0x93: {  	s3 =	sld [smem:$0x3FFC];
	_ =	sdelay $0x3  }
0x94: {  	_ =	strace s3  }
0x95: {  	s3 =	sld [smem:$0x3FFD];
	_ =	sdelay $0x3  }
0x96: {  	_ =	strace s3  }
0x97: {  	_ =	strace $0x8FFFFFFF  }
0x98: {  	s19 =	sld [smem:$0x3FDB];
	_ =	sdelay $0x1  }
0x99: {  	s4 =	simm.s32 $_scs_section_size  }
0x9a: {  	s5 =	simm.s32 $_size__tile_overlayer_lowered;
	s6 =	simm.s32 $_tile_overlayer_lowered  }
0x9b: {  	s22 =	simm.s32 $0x1BFF;
	s21 =	sshll.u32 s6, $0x1;
	s3 =	sadd.s32 s4, s19  }
0x9c: {  	s7 =	simm.s32 $0x0;
	s20 =	sshll.u32 s5, $0x1;
	s5 =	sadd.s32 s21, s3  }
0x9d: {  	[timem:s7], [sflag:s22] =	dma.local [hbm:s5], s20  }
0x9e: {  	_ =	swait.ge [sflag:s22], s20  }
0x9f: {  	s4 =	ssub.s32 $0x0, s20;
	[sflag:s22] =	ssyncset.done $0x0  }
0xa0: {  	[sflag:s22] =	ssyncadd.s32 s4;
	_ =	sdelay $0x1  }
0xa1: {  	s23 =	simm.s32 $0x1B8B  }
0xa2: {  	_ =	swait.ge [sflag:s23], $0x1  }
0xa3: {  	[sflag:s23] =	ssyncset.done $0x0  }
0xa4: {  	s25 =	simm.s32 $0x1B8E;
	s24 =	sld [smem:$0x3FFE];
	[sflag:s23] =	ssyncadd.s32 $0xFFFFFFFF  }
0xa5: {  	s26 =	simm.s32 $execute0_lowered;
	[smem:$0x3FD2] =	sst s25  }
0xa6: {  	s5 =	sshll.u32 s26, $0x1;
	_ =	strace $0x80000046;
	[dreg:$0x1] =	wrdreg $0xFFFFFFFF  }
0xa7: {  	s28 =	simm.s32 $_size_execute0_lowered;
	s3 =	sadd.s32 s3, s5;
	[dreg:$0x0] =	wrdreg $0x0  }
0xa8: {  	s5 =	sshll.u32 s28, $0x1;
	[dreg:$0x2] =	wrdreg s3  }
0xa9: {  	[dreg:$0x3] =	wrdreg s5  }
0xaa: {  	[dreg:$0x4] =	wrdreg $0xC0  }
0xab: {  	_ =	task [dreg:s7], $0x5FFFF  }
0xac: {  	[dreg:$0x1] =	wrdreg $0xFFFFFFFF  }
0xad: {  	[dreg:$0x0] =	wrdreg $0x60  }
0xae: {  	[dreg:$0x2] =	wrdreg s24  }
0xaf: {  	[dreg:$0x3] =	wrdreg s2  }
0xb0: {  	[dreg:$0x4] =	wrdreg $0x9  }
0xb1: {  	_ =	task.clear_ibuf [dreg:s7], $0x5FFFF;
	_ =	strace $0x90000046  }
0xb2: {  	s29 =	simm.s32 $0x9;
	_ =	strace $0x80000048  }
0xb3: {  	_ =	swait.ge [sflag:s29], $0x1  }
0xb4: {  	[sflag:s29] =	ssyncadd.s32 $0xFFFFFFFF  }
0xb5: {  	_ =	strace $0x90000048  }
0xb6: {  	_ =	sfence  }
0xb7: {  	s30 =	sld [smem:$0x0];
	_ =	sdelay $0x2  }
0xb8: {  	s31 =	sshll.u32 s1, $0xD;
	s1 =	sshrl.u32 s1, $0x2  }
0xb9: {  	s3 =	sand.u32 $0x4000, s31;
	s1 =	sadd.s32 s1, s30  }
0xba: {  	s0 =	sor.u32 s3, s0;
	s1 =	sshll.u32 s1, $0x11  }
0xbb: {  	s0 =	sor.u32 s1, s0  }
0xbc: {  	s0 =	sadd.s32 $0x8F2B, s0  }
0xbd: {  	[sflag:s0] =	ssyncadd.remote.s32 $0x1  }
0xbe: {  	_ =	sfence.sel $0xFFFF  }
0xbf: {  	[dreg:$0x0] =	wrdreg $0xFFFFFFFF;
	(pc) =	sbr.abs _section_cstart, $3  }
0xc0: {  	[dreg:$0x1] =	wrdreg $0xFFFFFFFF  }
0xc1: {  	_ =	task.clear_ibuf [dreg:s7], $0x2FFFF;
	_ =	strace $0x9FFFFFFF  }
0xc2: {  	(tm) =	ssettm $0x7FFFFFFF  }
0xc3: {  	_ =	shalt  }
tec
execute0_lowered:
.L_overlay_start_1:
0x0: {  	(tag) =	ssettag $0x1  }
0x1: {  	s0 =	rddreg [dreg:$0x0];
	s1 =	srdreg.scid  }
0x2: {  	s3 =	stileid.u32;
	s2 =	rddreg [dreg:$0x1];
	s12 =	simm.s32 $0x80  }
0x3: {  	s15 =	simm.s32 $0x1;
	s17 =	simm.s32 $0x2;
	s19 =	simm.s32 $0xF  }
0x4: {  	s20 =	simm.s32 $0x10;
	s1 =	sand.u32 $0x1, s1;
	s4 =	sshll.u32 s3, $0x1  }
0x5: {  	s21 =	simm.s32 $0x11;
	s22 =	simm.s32 $0x12;
	s6 =	sor.u32 s1, s4  }
0x6: {  	s23 =	simm.s32 $0xD;
	s3 =	simm.s32 $0x0;
	s7 =	smul.u32 $0x3200, s6  }
0x7: {  	s24 =	simm.s32 $0xE;
	s25 =	simm.s32 $0x0;
	[smem:$0x7FF] =	sst s3  }
0x8: {  	s4 =	sadd.s32 $0x400, s0;
	s30 =	sshll.u32 s6, $0x9;
	s29 =	sand.u32 $0x7F800, s7  }
0x9: {  	s28 =	ssub.s32 $0x2, s1;
	s7 =	sand.u32 $0x600, s30;
	s1 =	sadd.s32 s4, s29  }
0xa: {  	v0 =	vlaneseq.u32;
	s5 =	sadd.s32 $0x64400, s0;
	_ =	strace $0x80000047;
	s7 =	sadd.s32 s7, s1  }
0xb: {  	v0 =	vmul.u32 $0x88, v0;
	s8 =	sshrl.u32 s28, $0x1;
	s6 =	smul.u32 $0x320, s6;
	s1 =	sadd.s32 $0x10, s7  }
0xc: {  	s0 =	ssub.s32 s28, s8;
	s31 =	sadd.s32 $0x20, s7;
	[dreg:$0x3] =	wrdreg s1  }
0xd: {  	v1 =	vadd.s32 $0x880, v0;
	v2 =	vadd.s32 $0x1100, v0;
	v3 =	vadd.s32 $0x1980, v0;
	s11 =	smax.u32 s0, $0x1;
	s10 =	sadd.s32 $0x30, s7;
	[dreg:$0x4] =	wrdreg s31  }
.LBB2_1:
0xe: {  	[tilespmem:s3], [sflag:$0x1] =	stream.linear.gather [hbm4b:s7+s3], $0x80, $0x38;
	[tilespmem:$0x18F00] =	vst v63  }
0xf: {  	s0 =	rddreg [dreg:$0x3]  }
0x10: {  	[tilespmem:s12], [sflag:$0x2] =	stream.linear.gather [hbm4b:s0+s3], $0x80, $0x38;
	[tilespmem:$0x18F00] =	vst v63  }
0x11: {  	s18 =	rddreg [dreg:$0x4];
	s1 =	simm.s32 $0x100  }
0x12: {  	[tilespmem:s1], [sflag:$0x3] =	stream.linear.gather [hbm4b:s18+s3], $0x80, $0x38;
	[tilespmem:$0x18F00] =	vst v63  }
0x13: {  	s26 =	simm.s32 $0x180  }
0x14: {  	[tilespmem:s26], [sflag:$0x4] =	stream.linear.gather [hbm4b:s10+s3], $0x80, $0x38;
	[tilespmem:$0x18F00] =	vst v63  }
0x15: {  	_ =	swait.ge [sflag:s15], $0x80  }
0x16: {  	[sflag:s15] =	ssyncset.done $0x0  }
0x17: {  	s30 =	simm.s32 $0x300;
	[sflag:s15] =	ssyncadd.s32 $0xFFFFFF80  }
0x18: {  	[tilespmem:s30], [sflag:$0x7] =	stream.indirect.gather [hbm4b:s5+s12], $0x40, s3, s12, $0xb8;
	[tilespmem:$0x18F00] =	vst v63  }
0x19: {  	_ =	swait.ge [sflag:s17], $0x80  }
0x1a: {  	s31 =	simm.s32 $0x2300;
	s28 =	simm.s32 $0xC300;
	[sflag:s17] =	ssyncset.done $0x0  }
0x1b: {  	s29 =	simm.s32 $0x0;
	s26 =	simm.s32 $0x370;
	[sflag:s17] =	ssyncadd.s32 $0xFFFFFF80  }
0x1c: {  	[tilespmem:s31], [sflag:$0x8] =	stream.indirect.gather [hbm4b:s5+s12], $0x40, s12, s12, $0xb8;
	[tilespmem:$0x18F00] =	vst v63  }
.LBB2_2:
0x1d: {  	p0 =	sgt.u32 s29, $0x31D  }
0x1e: {  	s0 =	sadd.s32 @!p0 $0x2, s29  }
0x1f: {  	s1 =	sand.u32 @!p0 $0xFFFF, s0  }
0x20: {  	s1 =	smul.u32 @!p0 $0xAAAB, s1;
	_ =	sdelay $0x1  }
0x21: {  	s1 =	sshrl.u32 @!p0 s1, $0x12  }
0x22: {  	s1 =	smul.u32 @!p0 $0x6, s1;
	_ =	sdelay $0x1  }
0x23: {  	s0 =	ssub.s32 @!p0 s0, s1  }
0x24: {  	s8 =	smul.u32 $0xAAAB, s29;
	s0 =	sand.u32 @!p0 $0xFFFF, s0  }
0x25: {  	s16 =	smulhi.u32 $0xAAAAAAAB, s29;
	s14 =	simm.s32 @!p0 $0x80;
	s9 =	sadd.s32 @!p0 $0x1, s0  }
0x26: {  	s18 =	sshrl.u32 s8, $0x12;
	s8 =	sadd.s32 $0x2AAAC, s8;
	_ =	swait.ge @!p0 [sflag:s9], $0x80  }
0x27: {  	s31 =	sshrl.u32 s16, $0x2;
	s16 =	sshrl.u32 s8, $0x12;
	[sflag:s9] =	ssyncset.done @!p0 $0x0  }
0x28: {  	s1 =	smul.u32 $0x6, s16;
	[sflag:s9] =	ssyncadd.s32 @!p0 $0xFFFFFF80;
	s9 =	sshll.u32 @!p0 s0, $0xD  }
0x29: {  	s13 =	sshll.u32 @!p0 s0, $0x7;
	s0 =	sadd.s32 @!p0 $0x7, s0;
	s9 =	sor.u32 @!p0 $0x300, s9  }
0x2a: {  	[tilespmem:s9], [sflag:s0] =	stream.indirect.gather @!p0 [hbm4b:s5+s14], $0x40, s13, s14, $0xb8;
	[tilespmem:$0x18F00] =	vst v63  }
0x2b: {  	p1 =	sgt.u32 @!p0 s29, $0x31B;
	s14 =	smul.u32 $0x6, s18  }
0x2c: {  	s8 =	sadd.s32 $0x4, s29;
	p0 =	por p1, p0  }
0x2d: {  	s1 =	ssub.s32 s8, s1;
	s13 =	sadd.s32 @!p0 s6, s8;
	s0 =	ssub.s32 s29, s14  }
0x2e: {  	s18 =	smul.u32 $0xFFFD0000, s31;
	s8 =	sshll.u32 @!p0 s13, $0x4;
	s30 =	sand.u32 $0xFFFF, s0  }
0x2f: {  	s0 =	sand.u32 $0xFFFF, s1;
	s1 =	sand.u32 @!p0 $0x1FFFF800, s8;
	s8 =	sand.u32 @!p0 $0x7F0, s8  }
0x30: {  	s13 =	sadd.s32 @!p0 $0x1, s0;
	s1 =	sadd.s32 @!p0 s4, s1;
	s0 =	sshll.u32 @!p0 s0, $0x7  }
0x31: {  	s14 =	sadd.s32 $0x7, s30;
	s1 =	sadd.s32 @!p0 s8, s1;
	s8 =	simm.s32 @!p0 $0x0  }
0x32: {  	[tilespmem:s0], [sflag:s13] =	stream.linear.gather @!p0 [hbm4b:s1+s8], $0x80, $0x38;
	[tilespmem:$0x18F00] =	vst v63  }
0x33: {  	s16 =	sshra.s32 s18, $0x2;
	_ =	swait.ge [sflag:s14], $0x2000  }
0x34: {  	v4 =	vmov s16;
	p0 =	slt.u32 s29, $0x6;
	[sflag:s14] =	ssyncset.done $0x0  }
0x35: {  	s0 =	sadd.s32 @!p0 $0xD, s30;
	[sflag:s14] =	ssyncadd.s32 $0xFFFFE000  }
0x36: {  	s18 =	simm.s32 $0x1;
	_ =	swait.ge @!p0 [sflag:s0], $0x2000  }
0x37: {  	v5 =	vmov s18;
	[sflag:s0] =	ssyncset.done @!p0 $0x0  }
0x38: {  	v8 =	vand.u32 $0x7F, v5;
	[sflag:s0] =	ssyncadd.s32 @!p0 $0xFFFFE000  }
0x39: {  	v6 =	vadd.s32 v0, v8;
	v5 =	vld.idx.msk [tilespmem:v4+s26+$0xFFFFFFD0 ss:$0x1], $0xffff  }
0x3a: {  	s8 =	smul.u32 $0x8800, s30  }
0x3b: {  	s9 =	simm.s32 $0x0  }
0x3c: {  	v7 =	vmov s9;
	s0 =	sshra.s32 s8, $0x2  }
0x3d: {  	v15 =	vand.u32 $0x7E, v7;
	s13 =	simm.s32 $0x3;
	s1 =	sadd.s32 $0xC300, s0  }
0x3e: {  	v9 =	vadd.s32 v0, v15;
	v7 =	vld.idx.msk [tilespmem:v4+s26+$0xFFFFFF90 ss:$0x1], $0xffff;
	[tilespmem:v6+s1+$0x0] =	vst.idx.msk $0xffff, v5;
	v5 =	vmov s13  }
0x3f: {  	v10 =	vadd.s32 v1, v8;
	s0 =	sadd.s32 $0x80, s26;
	v6 =	vld.idx.msk [tilespmem:v4+s26+$0xFFFFFFE0 ss:$0x1], $0xffff;
	v20 =	vand.u32 $0x7F, v5  }
0x40: {  	s14 =	simm.s32 $0x2;
	v11 =	vld.idx.msk [tilespmem:v4+s0+$0xFFFFFFD0 ss:$0x1], $0xffff;
	v12 =	vadd.s32 v0, v20  }
0x41: {  	v5 =	vmov s14  }
0x42: {  	v5 =	vand.u32 $0x7E, v5  }
0x43: {  	[tilespmem:v9+s1+$0x0] =	vst.idx.msk $0xffff, v7;
	v7 =	vld.idx.msk [tilespmem:v4+s0+$0xFFFFFF90 ss:$0x1], $0xffff;
	v9 =	vadd.s32 v0, v5  }
0x44: {  	v14 =	vadd.s32 v1, v15;
	s16 =	simm.s32 $0x5;
	v13 =	vld.idx.msk [tilespmem:v4+s26+$0xFFFFFFA0 ss:$0x1], $0xffff;
	[tilespmem:v10+s1+$0x0] =	vst.idx.msk $0xffff, v6  }
0x45: {  	v6 =	vmov s16;
	[tilespmem:v12+s1+$0x0] =	vst.idx.msk $0xffff, v11;
	v10 =	vld.idx.msk [tilespmem:v4+s26+$0xFFFFFFF0 ss:$0x1], $0xffff;
	v11 =	vadd.s32 v2, v8  }
0x46: {  	s18 =	simm.s32 $0x4;
	s13 =	sadd.s32 $0x80, s0;
	v16 =	vadd.s32 v1, v20;
	v6 =	vand.u32 $0x7F, v6;
	v12 =	vld.idx.msk [tilespmem:v4+s0+$0xFFFFFFE0 ss:$0x1], $0xffff  }
0x47: {  	v17 =	vmov s18;
	v18 =	vld.idx.msk [tilespmem:v4+s13+$0xFFFFFFD0 ss:$0x1], $0xffff;
	s8 =	sadd.s32 $0x80, s13;
	v19 =	vadd.s32 v0, v6  }
0x48: {  	v24 =	vld.idx.msk [tilespmem:v4+s8+$0xFFFFFFD0 ss:$0x1], $0xffff;
	[tilespmem:v9+s1+$0x0] =	vst.idx.msk $0xffff, v7;
	v7 =	vand.u32 $0x7E, v17  }
0x49: {  	[tilespmem:v14+s1+$0x0] =	vst.idx.msk $0xffff, v13;
	v9 =	vld.idx.msk [tilespmem:v4+s13+$0xFFFFFF90 ss:$0x1], $0xffff;
	v13 =	vadd.s32 v0, v7  }
0x4a: {  	v17 =	vadd.s32 v1, v5;
	v14 =	vld.idx.msk [tilespmem:v4+s0+$0xFFFFFFA0 ss:$0x1], $0xffff;
	[tilespmem:v11+s1+$0x0] =	vst.idx.msk $0xffff, v10  }
0x4b: {  	v21 =	vld.idx.msk [tilespmem:v4+s26+$0xFFFFFFB0 ss:$0x1], $0xffff;
	v10 =	vadd.s32 v2, v15;
	[tilespmem:v16+s1+$0x0] =	vst.idx.msk $0xffff, v12  }
0x4c: {  	s9 =	simm.s32 $0x7;
	v12 =	vld.idx.msk [tilespmem:v4+s26+$0x0 ss:$0x1], $0xffff;
	[tilespmem:v19+s1+$0x0] =	vst.idx.msk $0xffff, v18;
	v18 =	vadd.s32 v3, v8  }
0x4d: {  	s14 =	simm.s32 $0x6;
	v23 =	vadd.s32 v2, v20;
	v8 =	vmov s9;
	v16 =	vld.idx.msk [tilespmem:v4+s0+$0xFFFFFFF0 ss:$0x1], $0xffff  }
0x4e: {  	v22 =	vld.idx.msk [tilespmem:v4+s13+$0xFFFFFFE0 ss:$0x1], $0xffff;
	[tilespmem:v13+s1+$0x0] =	vst.idx.msk $0xffff, v9;
	v8 =	vand.u32 $0x7F, v8;
	v13 =	vadd.s32 v1, v6;
	v9 =	vmov s14  }
0x4f: {  	[tilespmem:v17+s1+$0x0] =	vst.idx.msk $0xffff, v14;
	v14 =	vld.idx.msk [tilespmem:v4+s8+$0xFFFFFF90 ss:$0x1], $0xffff;
	v25 =	vadd.s32 v0, v8;
	v9 =	vand.u32 $0x7E, v9  }
0x50: {  	s16 =	smul.u32 $0xFFFCD000, s31;
	v11 =	vld.idx.msk [tilespmem:v4+s13+$0xFFFFFFA0 ss:$0x1], $0xffff;
	v19 =	vadd.s32 v0, v9;
	[tilespmem:v10+s1+$0x0] =	vst.idx.msk $0xffff, v21  }
0x51: {  	v17 =	vadd.s32 v1, v7;
	v10 =	vld.idx.msk [tilespmem:v4+s0+$0xFFFFFFB0 ss:$0x1], $0xffff;
	[tilespmem:v18+s1+$0x0] =	vst.idx.msk $0xffff, v12  }
0x52: {  	s18 =	sshra.s32 s16, $0x2;
	v12 =	vld.idx.msk [tilespmem:v4+s26+$0xFFFFFFC0 ss:$0x1], $0xffff;
	[tilespmem:v23+s1+$0x0] =	vst.idx.msk $0xffff, v16;
	v16 =	vadd.s32 v2, v5  }
0x53: {  	s16 =	simm.s32 $0x8;
	s31 =	sadd.s32 s18, s28;
	v18 =	vadd.s32 v3, v15;
	[tilespmem:v13+s1+$0x0] =	vst.idx.msk $0xffff, v22;
	v13 =	vld.idx.msk [tilespmem:v4+s0+$0x0 ss:$0x1], $0xffff  }
0x54: {  	v20 =	vadd.s32 v3, v20;
	s18 =	simm.s32 $0xA;
	s9 =	simm.s32 $0x9;
	s14 =	smov.u32 s8;
	[tilespmem:v25+s1+$0x0] =	vst.idx.msk $0xffff, v24;
	v15 =	vld.idx.msk [tilespmem:v4+s13+$0xFFFFFFF0 ss:$0x1], $0xffff  }
.LBB2_3:
0x55: {  	p0 =	slt.u32 s18, $0x7E;
	v21 =	vmov s9;
	[tilespmem:v19+s1+$0x0] =	vst.idx.msk $0xffff, v14;
	v22 =	vld.idx.msk [tilespmem:v4+s8+$0xFFFFFFE0 ss:$0x1], $0xffff;
	s14 =	sadd.s32 $0x80, s14;
	v23 =	vadd.s32 v2, v6;
	v24 =	vmov v9  }
0x56: {  	v9 =	vmov s16;
	v26 =	vadd.s32 v1, v8;
	s16 =	smov.u32 s18;
	v25 =	vld.idx.msk [tilespmem:v4+s14+$0xFFFFFFD0 ss:$0x1], $0xffff;
	v21 =	vand.u32 $0x7F, v21;
	[tilespmem:v17+s1+$0x0] =	vst.idx.msk $0xffff, v11  }
0x57: {  	v9 =	vand.u32 $0x7E, v9;
	v14 =	vld.idx.msk [tilespmem:v4+s14+$0xFFFFFF90 ss:$0x1], $0xffff;
	v27 =	vadd.s32 v0, v21;
	[tilespmem:v16+s1+$0x0] =	vst.idx.msk $0xffff, v10  }
.Ltmp0:
0x58: {  	v19 =	vadd.s32 v0, v9;
	v11 =	vld.idx.msk [tilespmem:v4+s8+$0xFFFFFFA0 ss:$0x1], $0xffff;
	[tilespmem:v18+s1+$0x0] =	vst.idx.msk $0xffff, v12;
	(pc) =	sbr.rel @p0 .LBB2_3-.Ltmp0, $4  }
0x59: {  	v17 =	vadd.s32 v1, v24;
	v10 =	vld.idx.msk [tilespmem:v4+s13+$0xFFFFFFB0 ss:$0x1], $0xffff;
	[tilespmem:v20+s1+$0x0] =	vst.idx.msk $0xffff, v13  }
0x5a: {  	v16 =	vadd.s32 v2, v7;
	[tilespmem:v23+s1+$0x0] =	vst.idx.msk $0xffff, v15;
	v12 =	vld.idx.msk [tilespmem:v4+s0+$0xFFFFFFC0 ss:$0x1], $0xffff;
	s0 =	smov.u32 s13;
	s13 =	smov.u32 s8;
	s8 =	smov.u32 s14  }
0x5b: {  	v18 =	vadd.s32 v3, v5;
	v5 =	vmov v7;
	v7 =	vmov v24;
	[tilespmem:v26+s1+$0x0] =	vst.idx.msk $0xffff, v22;
	v13 =	vld.idx.msk [tilespmem:v4+s0+$0x0 ss:$0x1], $0xffff  }
0x5c: {  	s18 =	sadd.s32 $0x2, s18;
	s9 =	sadd.s32 $0x1, s16;
	v20 =	vadd.s32 v3, v6;
	v6 =	vmov v8;
	v8 =	vmov v21;
	[tilespmem:v27+s1+$0x0] =	vst.idx.msk $0xffff, v25;
	v15 =	vld.idx.msk [tilespmem:v4+s13+$0xFFFFFFF0 ss:$0x1], $0xffff  }
0x5d: {  	_ =	sdelay $0x1  }
0x5e: {  	v21 =	vmov s9  }
0x5f: {  	s18 =	sadd.s32 $0x80, s14;
	v22 =	vmov s16;
	v21 =	vand.u32 $0x7F, v21  }
0x60: {  	v23 =	vld.idx.msk [tilespmem:v4+s18+$0xFFFFFFD0 ss:$0x1], $0xffff;
	v22 =	vand.u32 $0x7E, v22;
	v24 =	vadd.s32 v0, v21  }
0x61: {  	[tilespmem:v19+s1+$0x0] =	vst.idx.msk $0xffff, v14;
	v37 =	vld.idx.msk [tilespmem:v4+s18+$0xFFFFFF90 ss:$0x1], $0xffff;
	v38 =	vadd.s32 v0, v22  }
0x62: {  	[tilespmem:v17+s1+$0x0] =	vst.idx.msk $0xffff, v11  }
0x63: {  	v39 =	vadd.s32 v2, v6;
	[tilespmem:v16+s1+$0x0] =	vst.idx.msk $0xffff, v10  }
0x64: {  	v40 =	vld.idx.msk [tilespmem:v4+s8+$0xFFFFFFE0 ss:$0x1], $0xffff;
	v41 =	vadd.s32 v1, v8;
	[tilespmem:v18+s1+$0x0] =	vst.idx.msk $0xffff, v12  }
0x65: {  	v43 =	vadd.s32 v1, v9;
	v42 =	vld.idx.msk [tilespmem:v4+s8+$0xFFFFFFA0 ss:$0x1], $0xffff;
	[tilespmem:v24+s1+$0x0] =	vst.idx.msk $0xffff, v23  }
0x66: {  	v45 =	vadd.s32 v1, v21;
	[tilespmem:v38+s1+$0x0] =	vst.idx.msk $0xffff, v37;
	v44 =	vld.idx.msk [tilespmem:v4+s18+$0xFFFFFFE0 ss:$0x1], $0xffff  }
0x67: {  	v47 =	vadd.s32 v1, v22;
	[tilespmem:v20+s1+$0x0] =	vst.idx.msk $0xffff, v13;
	v46 =	vld.idx.msk [tilespmem:v4+s18+$0xFFFFFFA0 ss:$0x1], $0xffff  }
0x68: {  	v49 =	vadd.s32 v2, v7;
	v48 =	vld.idx.msk [tilespmem:v4+s13+$0xFFFFFFB0 ss:$0x1], $0xffff;
	[tilespmem:v39+s1+$0x0] =	vst.idx.msk $0xffff, v15  }
0x69: {  	v5 =	vadd.s32 v3, v5;
	v50 =	vld.idx.msk [tilespmem:v4+s0+$0xFFFFFFC0 ss:$0x1], $0xffff;
	[tilespmem:v41+s1+$0x0] =	vst.idx.msk $0xffff, v40  }
0x6a: {  	v51 =	vadd.s32 v2, v8;
	v10 =	vld.idx.msk [tilespmem:v4+s8+$0xFFFFFFF0 ss:$0x1], $0xffff;
	[tilespmem:v43+s1+$0x0] =	vst.idx.msk $0xffff, v42  }
0x6b: {  	v52 =	vadd.s32 v2, v9;
	v12 =	vld.idx.msk [tilespmem:v4+s8+$0xFFFFFFB0 ss:$0x1], $0xffff;
	[tilespmem:v45+s1+$0x0] =	vst.idx.msk $0xffff, v44  }
0x6c: {  	v53 =	vadd.s32 v2, v21;
	[tilespmem:v47+s1+$0x0] =	vst.idx.msk $0xffff, v46;
	v14 =	vld.idx.msk [tilespmem:v4+s18+$0xFFFFFFF0 ss:$0x1], $0xffff  }
0x6d: {  	v54 =	vadd.s32 v2, v22;
	[tilespmem:v49+s1+$0x0] =	vst.idx.msk $0xffff, v48;
	v13 =	vld.idx.msk [tilespmem:v4+s18+$0xFFFFFFB0 ss:$0x1], $0xffff  }
0x6e: {  	v56 =	vadd.s32 v3, v6;
	v55 =	vld.idx.msk [tilespmem:v4+s13+$0x0 ss:$0x1], $0xffff;
	[tilespmem:v5+s1+$0x0] =	vst.idx.msk $0xffff, v50  }
0x6f: {  	v57 =	vadd.s32 v3, v7;
	v5 =	vld.idx.msk [tilespmem:v4+s13+$0xFFFFFFC0 ss:$0x1], $0xffff;
	[tilespmem:v51+s1+$0x0] =	vst.idx.msk $0xffff, v10  }
0x70: {  	v58 =	vadd.s32 v3, v8;
	v10 =	vld.idx.msk [tilespmem:v4+s8+$0x0 ss:$0x1], $0xffff;
	[tilespmem:v52+s1+$0x0] =	vst.idx.msk $0xffff, v12  }
0x71: {  	v60 =	vadd.s32 v3, v9;
	v59 =	vld.idx.msk [tilespmem:v4+s8+$0xFFFFFFC0 ss:$0x1], $0xffff;
	[tilespmem:v53+s1+$0x0] =	vst.idx.msk $0xffff, v14  }
0x72: {  	v62 =	vadd.s32 v3, v21;
	[tilespmem:v54+s1+$0x0] =	vst.idx.msk $0xffff, v13;
	v61 =	vld.idx.msk [tilespmem:v4+s18+$0x0 ss:$0x1], $0xffff  }
0x73: {  	v63 =	vadd.s32 v3, v22;
	[tilespmem:v56+s1+$0x0] =	vst.idx.msk $0xffff, v55;
	v4 =	vld.idx.msk [tilespmem:v4+s18+$0xFFFFFFC0 ss:$0x1], $0xffff  }
0x74: {  	s9 =	sadd.s32 s6, s29;
	[tilespmem:v57+s1+$0x0] =	vst.idx.msk $0xffff, v5  }
0x75: {  	s13 =	sshll.u32 s9, $0xA;
	[tilespmem:v58+s1+$0x0] =	vst.idx.msk $0xffff, v10  }
0x76: {  	s0 =	sshll.u32 s9, $0x7;
	s8 =	sand.u32 $0x1FFE0000, s13;
	[tilespmem:v60+s1+$0x0] =	vst.idx.msk $0xffff, v59  }
0x77: {  	s14 =	sand.u32 $0x3F80, s0;
	s8 =	sadd.s32 s2, s8;
	[tilespmem:v62+s1+$0x0] =	vst.idx.msk $0xffff, v61  }
0x78: {  	s0 =	sadd.s32 $0xD, s30;
	s13 =	sadd.s32 $0x0, s31;
	[tilespmem:v63+s1+$0x0] =	vst.idx.msk $0xffff, v4;
	s1 =	sadd.s32 s14, s8  }
0x79: {  	[hbm4b:s1+s3] =	stream.linear.scatter [tilespmem:s13], [sflag:s0], $0x80, $0x38;
	[tilespmem:$0x18F00] =	vst v63  }
0x7a: {  	s16 =	sadd.s32 $0x88, s13;
	s9 =	sadd.s32 $0x10, s1  }
0x7b: {  	[hbm4b:s9+s3] =	stream.linear.scatter [tilespmem:s16], [sflag:s0], $0x80, $0x38;
	[tilespmem:$0x18F00] =	vst v63  }
0x7c: {  	s18 =	sadd.s32 $0x110, s13;
	s14 =	sadd.s32 $0x198, s13;
	s30 =	sadd.s32 $0x20, s1  }
0x7d: {  	[hbm4b:s30+s3] =	stream.linear.scatter [tilespmem:s18], [sflag:s0], $0x80, $0x38;
	[tilespmem:$0x18F00] =	vst v63  }
0x7e: {  	s8 =	simm.s32 $0x440;
	s16 =	sadd.s32 $0x30, s1;
	s9 =	simm.s32 $0x2200  }
0x7f: {  	[hbm4b:s16+s3] =	stream.linear.scatter [tilespmem:s14], [sflag:s0], $0x80, $0x38;
	[tilespmem:$0x18F00] =	vst v63  }
0x80: {  	s18 =	sadd.s32 $0x220, s13;
	s30 =	sadd.s32 $0x40, s1;
	s14 =	sadd.s32 $0x2A8, s13  }
0x81: {  	[hbm4b:s30+s3] =	stream.linear.scatter [tilespmem:s18], [sflag:s0], $0x80, $0x38;
	[tilespmem:$0x18F00] =	vst v63  }
0x82: {  	s16 =	sadd.s32 $0x50, s1;
	s18 =	sadd.s32 $0x330, s13;
	s30 =	sadd.s32 $0x60, s1  }
0x83: {  	[hbm4b:s16+s3] =	stream.linear.scatter [tilespmem:s14], [sflag:s0], $0x80, $0x38;
	[tilespmem:$0x18F00] =	vst v63  }
0x84: {  	s13 =	sadd.s32 $0x3B8, s13;
	s14 =	sadd.s32 $0x70, s1;
	s1 =	sadd.s32 $0x4000, s1  }
0x85: {  	[hbm4b:s30+s3] =	stream.linear.scatter [tilespmem:s18], [sflag:s0], $0x80, $0x38;
	[tilespmem:$0x18F00] =	vst v63  }
.LBB2_5:
0x86: {  	[hbm4b:s14+s3] =	stream.linear.scatter [tilespmem:s13], [sflag:s0], $0x80, $0x38;
	[tilespmem:$0x18F00] =	vst v63  }
0x87: {  	s13 =	smov.u32 s9  }
0x88: {  	s16 =	sadd.s32 $0x1100, s9;
	s14 =	sadd.s32 s8, s31;
	s8 =	sshra.s32 s13, $0x2  }
0x89: {  	[hbm4b:s1+s3] =	stream.linear.scatter [tilespmem:s14], [sflag:s0], $0x80, $0x38;
	[tilespmem:$0x18F00] =	vst v63  }
0x8a: {  	p0 =	sne.s32 s9, $0x7700;
	s9 =	sadd.s32 $0x88, s14;
	s13 =	sadd.s32 $0x10, s1  }
0x8b: {  	[hbm4b:s13+s3] =	stream.linear.scatter [tilespmem:s9], [sflag:s0], $0x80, $0x38;
	[tilespmem:$0x18F00] =	vst v63  }
0x8c: {  	s9 =	sadd.s32 $0x110, s14;
	s13 =	sadd.s32 $0x20, s1  }
0x8d: {  	[hbm4b:s13+s3] =	stream.linear.scatter [tilespmem:s9], [sflag:s0], $0x80, $0x38;
	[tilespmem:$0x18F00] =	vst v63  }
0x8e: {  	s9 =	sadd.s32 $0x198, s14;
	s13 =	sadd.s32 $0x30, s1  }
0x8f: {  	[hbm4b:s13+s3] =	stream.linear.scatter [tilespmem:s9], [sflag:s0], $0x80, $0x38;
	[tilespmem:$0x18F00] =	vst v63  }
0x90: {  	s9 =	sadd.s32 $0x220, s14;
	s13 =	sadd.s32 $0x40, s1  }
0x91: {  	[hbm4b:s13+s3] =	stream.linear.scatter [tilespmem:s9], [sflag:s0], $0x80, $0x38;
	[tilespmem:$0x18F00] =	vst v63  }
0x92: {  	s9 =	sadd.s32 $0x2A8, s14;
	s13 =	sadd.s32 $0x50, s1  }
0x93: {  	[hbm4b:s13+s3] =	stream.linear.scatter [tilespmem:s9], [sflag:s0], $0x80, $0x38;
	[tilespmem:$0x18F00] =	vst v63  }
.Ltmp1:
0x94: {  	_ = 	snop;
	(pc) =	sbr.rel @p0 .LBB2_5-.Ltmp1, $4  }
0x95: {  	s9 =	sadd.s32 $0x330, s14;
	s13 =	sadd.s32 $0x60, s1  }
0x96: {  	[hbm4b:s13+s3] =	stream.linear.scatter [tilespmem:s9], [sflag:s0], $0x80, $0x38;
	[tilespmem:$0x18F00] =	vst v63  }
0x97: {  	s13 =	sadd.s32 $0x3B8, s14  }
0x98: {  	s14 =	sadd.s32 $0x70, s1;
	s1 =	sadd.s32 $0x4000, s1;
	s9 =	smov.u32 s16  }
0x99: {  	[hbm4b:s14+s3] =	stream.linear.scatter [tilespmem:s13], [sflag:s0], $0x80, $0x38;
	[tilespmem:$0x18F00] =	vst v63  }
0x9a: {  	s8 =	sadd.s32 s8, s31  }
0x9b: {  	[hbm4b:s1+s3] =	stream.linear.scatter [tilespmem:s8], [sflag:s0], $0x80, $0x38;
	[tilespmem:$0x18F00] =	vst v63  }
0x9c: {  	s31 =	sadd.s32 $0x10, s1;
	s9 =	sadd.s32 $0x88, s8  }
0x9d: {  	[hbm4b:s31+s3] =	stream.linear.scatter [tilespmem:s9], [sflag:s0], $0x80, $0x38;
	[tilespmem:$0x18F00] =	vst v63  }
0x9e: {  	s14 =	sadd.s32 $0x20, s1;
	s13 =	sadd.s32 $0x110, s8  }
0x9f: {  	[hbm4b:s14+s3] =	stream.linear.scatter [tilespmem:s13], [sflag:s0], $0x80, $0x38;
	[tilespmem:$0x18F00] =	vst v63  }
0xa0: {  	s18 =	sadd.s32 $0x30, s1;
	s16 =	sadd.s32 $0x198, s8  }
0xa1: {  	[hbm4b:s18+s3] =	stream.linear.scatter [tilespmem:s16], [sflag:s0], $0x80, $0x38;
	[tilespmem:$0x18F00] =	vst v63  }
0xa2: {  	s29 =	sadd.s32 $0x1, s29;
	s30 =	sadd.s32 $0x220, s8;
	s31 =	sadd.s32 $0x40, s1  }
0xa3: {  	[hbm4b:s31+s3] =	stream.linear.scatter [tilespmem:s30], [sflag:s0], $0x80, $0x38;
	[tilespmem:$0x18F00] =	vst v63  }
0xa4: {  	p0 =	sne.s32 s29, $0x320;
	s14 =	sadd.s32 $0x2A8, s8;
	s16 =	sadd.s32 $0x50, s1  }
0xa5: {  	[hbm4b:s16+s3] =	stream.linear.scatter [tilespmem:s14], [sflag:s0], $0x80, $0x38;
	[tilespmem:$0x18F00] =	vst v63  }
.Ltmp2:
0xa6: {  	_ = 	snop;
	(pc) =	sbr.rel @p0 .LBB2_2-.Ltmp2, $4  }
0xa7: {  	s26 =	sadd.s32 $0x2000, s26;
	s18 =	sadd.s32 $0x330, s8;
	s30 =	sadd.s32 $0x60, s1  }
0xa8: {  	[hbm4b:s30+s3] =	stream.linear.scatter [tilespmem:s18], [sflag:s0], $0x80, $0x38;
	[tilespmem:$0x18F00] =	vst v63  }
0xa9: {  	s28 =	sadd.s32 $0x2200, s28;
	s8 =	sadd.s32 $0x3B8, s8;
	s31 =	sadd.s32 $0x70, s1  }
0xaa: {  	[hbm4b:s31+s3] =	stream.linear.scatter [tilespmem:s8], [sflag:s0], $0x80, $0x38;
	[tilespmem:$0x18F00] =	vst v63  }
0xab: {  	_ =	swait.ge [sflag:s19], $0x2000  }
0xac: {  	[sflag:s19] =	ssyncset.done $0x0  }
0xad: {  	[sflag:s19] =	ssyncadd.s32 $0xFFFFE000  }
0xae: {  	_ =	swait.ge [sflag:s20], $0x2000  }
0xaf: {  	[sflag:s20] =	ssyncset.done $0x0  }
0xb0: {  	[sflag:s20] =	ssyncadd.s32 $0xFFFFE000  }
0xb1: {  	_ =	swait.ge [sflag:s21], $0x2000  }
0xb2: {  	[sflag:s21] =	ssyncset.done $0x0  }
0xb3: {  	[sflag:s21] =	ssyncadd.s32 $0xFFFFE000  }
0xb4: {  	_ =	swait.ge [sflag:s22], $0x2000  }
0xb5: {  	[sflag:s22] =	ssyncset.done $0x0  }
0xb6: {  	s25 =	sadd.s32 $0x1, s25;
	[sflag:s22] =	ssyncadd.s32 $0xFFFFE000  }
0xb7: {  	p0 =	sne.s32 s25, s11;
	_ =	swait.ge [sflag:s23], $0x2000  }
.Ltmp3:
0xb8: {  	[sflag:s23] =	ssyncset.done $0x0;
	(pc) =	sbr.rel @p0 .LBB2_1-.Ltmp3, $4  }
0xb9: {  	[sflag:s23] =	ssyncadd.s32 $0xFFFFE000  }
0xba: {  	_ =	swait.ge [sflag:s24], $0x2000  }
0xbb: {  	[sflag:s24] =	ssyncset.done $0x0  }
0xbc: {  	[sflag:s24] =	ssyncadd.s32 $0xFFFFE000  }
0xbd: {  	_ =	sfence.sel $0x180000  }
0xbe: {  	[bflag:$0x0] =	sbarrier.arrive $0xFFFF  }
0xbf: {  	_ =	strace $0x90000047  }
0xc0: {  	s0 =	stileid.u32;
	[bflag:$0x2] =	sbarrier.arrive $0xFFFF  }
0xc1: {  	p0 =	sne.s32 s0, $0x0;
	s0 =	rddreg [dreg:$0x2]  }
0xc2: {  	s0 =	sadd.s32 @!p0 $0x100000, s0  }
0xc3: {  	[sflag:s0] =	ssyncadd.tile.s32 @!p0 $0x1;
	_ =	shalt  }
.Lfunc_end2:
_tile_overlayer_lowered:
.L_overlay_start_2:
0xc4: {  	(tag) =	ssettag $0x2  }
0xc5: {  	s0 =	rddreg [dreg:$0x0];
	s2 =	stileid.u32  }
0xc6: {  	s1 =	rddreg [dreg:$0x1];
	p0 =	sne.s32 s2, $0x0  }
0xc7: {  	s3 =	rddreg [dreg:$0x2];
	[bflag:$0x3] =	sbarrier.arrive $0xFFFF;
	s2 =	simm.s32 @!p0 $0x1C13  }
0xc8: {  	[timem:s3], [sflag:s2] =	dma.local @!p0 [hbm:s0], s1  }
0xc9: {  	s0 =	simm.s32 @!p0 $0x13  }
0xca: {  	_ =	swait.ge @!p0 [sflag:s0], s1  }
0xcb: {  	s1 =	ssub.s32 @!p0 $0x0, s1;
	[sflag:s0] =	ssyncset.done @!p0 $0x0  }
0xcc: {  	[sflag:s0] =	ssyncadd.s32 @!p0 s1  }
0xcd: {  	[bflag:$0x3] =	sbarrier.arrive $0xFFFF  }
0xce: {  	_ =	shalt  }

</sc_bundles>
